<compile_context>
chip_gen: v7x
topology: tpu7x:2x2x1
jax: 0.10.2.dev20260603
libtpu: 0.0.44.dev20260713+nightly
codegen_flags: <defaults>
</compile_context>

<pallas_src>
import jax
import jax.numpy as jnp
from jax import lax
from jax.experimental import pallas as pl
from jax.experimental.pallas import tpu as pltpu
from jax.experimental.pallas import tpu_sc as plsc

_D = 64
_SCALE = 8.0

_info = plsc.get_sparse_core_info()
_NC = _info.num_cores
_NS = _info.num_subcores
_NW = _NC * _NS

_B_CHUNKS = 200


def _wid():
    return lax.axis_index("s") * _NC + lax.axis_index("c")



def _b_body(tok, ta, out5, idxall, rows, tbuf, gsem, osem):
    w = _wid()
    iot = lax.iota(jnp.int32, 16)
    ia_l = [(iot >> 3) + (d0 >> 3) for d0 in range(0, _D, 16)]
    i_s = iot & 7
    pltpu.sync_copy(tok.at[pl.ds(w * _B_CHUNKS, _B_CHUNKS), :], idxall)

    def gather_cp(m, b):
        return pltpu.make_async_copy(ta.at[idxall.at[m]], rows.at[b],
                                     gsem.at[b])

    def out_cp(m, b):
        kk = w * _B_CHUNKS + m
        j = kk >> 5
        cb = kk & 31
        return pltpu.make_async_copy(
            tbuf.at[b, :, :, pl.ds(0, 128)], out5.at[j, :, cb], osem.at[b])

    def transpose(b):
        src = rows.at[b]
        dst = tbuf.at[b]

        @plsc.parallel_loop(0, 128, unroll=4)
        def _tk(t):
            tv = jnp.full((16,), t, jnp.int32)
            for i, d0 in enumerate(range(0, _D, 16)):
                v = src[t, pl.ds(d0, 16)] * _SCALE
                plsc.store_scatter(dst, [ia_l[i], i_s, tv], v)

    for b in range(2):
        gather_cp(b, b).start()
    for b in range(2):
        gather_cp(b, b).wait()
        transpose(b)
        out_cp(b, b).start()
        gather_cp(b + 2, b).start()

    def step(mo, carry):
        for b in range(2):
            m = 2 * mo + b
            gather_cp(m, b).wait()
            out_cp(m - 2, b).wait()
            transpose(b)
            out_cp(m, b).start()

            @pl.when(m + 2 < _B_CHUNKS)
            def _():
                gather_cp(m + 2, b).start()

        return carry

    lax.fori_loop(1, _B_CHUNKS // 2, step, 0)

    for b in range(2):
        out_cp(_B_CHUNKS - 2 + b, b).wait()


@jax.jit
def _run(inp_tokens, emb_table):
    mesh = plsc.VectorSubcoreMesh(core_axis_name="c", subcore_axis_name="s")

    ta = emb_table
    tok2d = inp_tokens.T.reshape(_NW * _B_CHUNKS, 128).astype(jnp.int32)
    out5 = pl.kernel(
        _b_body,
        out_type=jax.ShapeDtypeStruct((200, 8, 32, 8, 128), jnp.float32),
        mesh=mesh,
        compiler_params=pltpu.CompilerParams(
            use_tc_tiling_on_sc=False, needs_layout_passes=False),
        scratch_types=[
            pltpu.VMEM((_B_CHUNKS, 128), jnp.int32),
            pltpu.VMEM((2, 128, _D), jnp.float32),
            pltpu.VMEM((2, 8, 8, 129), jnp.float32),
            pltpu.SemaphoreType.DMA((2,)),
            pltpu.SemaphoreType.DMA((2,)),
        ],
    )(tok2d, ta)
    return out5


def kernel(inp_tokens, emb_table):
    b, s = inp_tokens.shape
    out5 = _run(inp_tokens, emb_table)
    return out5.transpose(2, 4, 0, 1, 3).reshape(b, s, _D)

# --- scband reference (transcript-rebuilt; emitter-appended) ---
"""Pipeline reference for scband-token-embedding-22222160789905 (READ-ONLY COPY).

The authoritative reference and input builder live on the scoring server;
editing this copy changes nothing except your own understanding.
"""

import jax, jax.numpy as jnp
import numpy as np

N_TOKEN = 1000000
D_EMBED = 64
D_PROJ = 64
EMB_SCALE = D_PROJ ** 0.5


def setup_inputs(seed: int = 0) -> dict:
    key = jax.random.key(seed)
    k1, k2 = jax.random.split(key)
    inp_tokens = jax.random.randint(k1, (4096, 200), 0, N_TOKEN, dtype=jnp.int64 if jax.config.jax_enable_x64 else jnp.int32)
    emb_table = jax.random.normal(k2, (N_TOKEN, D_EMBED), dtype=jnp.float32) * 0.02
    return {"inp_tokens": inp_tokens, "emb_table": emb_table}


def reference(inp_tokens, emb_table):
    # nn.Embedding lookup -> gather rows of the table
    inp_emb = jnp.take(emb_table, inp_tokens, axis=0)
    # d_proj == d_embed so emb_proj is None; just scale
    return inp_emb * EMB_SCALE

if __name__ == "__main__":
    import jax
    _d = setup_inputs()
    print(jax.jit(kernel)(*tuple(_d.values())))

</pallas_src>

<mosaic_0001>
#map = affine_map<(d0, d1) -> (0, 0)>
#map1 = affine_map<(d0, d1) -> (0, 0, 0, 0, 0)>
module attributes {stable_mosaic.version = 14 : i64} {
  func.func @_b_body(%arg0: i32, %arg1: i32, %arg2: memref<6400x128xi32, #tpu.memory_space<hbm>>, %arg3: memref<1000000x64xf32, #tpu.memory_space<hbm>>, %arg4: memref<200x8x32x8x128xf32, #tpu.memory_space<hbm>>, %arg5: memref<200x128xi32, #tpu.memory_space<vmem>>, %arg6: memref<2x128x64xf32, #tpu.memory_space<vmem>>, %arg7: memref<2x8x8x129xf32, #tpu.memory_space<vmem>>, %arg8: memref<2x!tpu.dma_semaphore, #tpu.memory_space<semaphore_mem>>, %arg9: memref<2x!tpu.dma_semaphore, #tpu.memory_space<semaphore_mem>>) attributes {dimension_semantics = [#tpu.dimension_semantics<core_parallel>, #tpu.dimension_semantics<subcore_parallel>], iteration_bounds = array<i64: 2, 16>, scalar_prefetch = 0 : i64, scratch_operands = 5 : i64, tpu.core_type = #tpu.core_type<sc_vector_subcore>, window_params = [{transform_indices = #map}, {transform_indices = #map}, {transform_indices = #map1}]} {
    %mul3A = arith.constant 2 : i32
    %mul3A_0 = arith.muli %arg1, %mul3A : i32
    %add3A = arith.addi %mul3A_0, %arg0 : i32
    %iota3A = tpu.iota {dimensions = array<i32: 0>} : vector<16xi32>
    %shift_right_arithmetic3A = arith.constant 3 : i32
    %shift_right_arithmetic3A_1 = vector.broadcast %shift_right_arithmetic3A : i32 to vector<16xi32>
    %shift_right_arithmetic3A_2 = arith.shrsi %iota3A, %shift_right_arithmetic3A_1 : vector<16xi32>
    %add3A_3 = arith.constant 0 : i32
    %add3A_4 = vector.broadcast %add3A_3 : i32 to vector<16xi32>
    %add3A_5 = arith.addi %shift_right_arithmetic3A_2, %add3A_4 : vector<16xi32>
    %shift_right_arithmetic3A_6 = arith.constant 3 : i32
    %shift_right_arithmetic3A_7 = vector.broadcast %shift_right_arithmetic3A_6 : i32 to vector<16xi32>
    %shift_right_arithmetic3A_8 = arith.shrsi %iota3A, %shift_right_arithmetic3A_7 : vector<16xi32>
    %add3A_9 = arith.constant 2 : i32
    %add3A_10 = vector.broadcast %add3A_9 : i32 to vector<16xi32>
    %add3A_11 = arith.addi %shift_right_arithmetic3A_8, %add3A_10 : vector<16xi32>
    %shift_right_arithmetic3A_12 = arith.constant 3 : i32
    %shift_right_arithmetic3A_13 = vector.broadcast %shift_right_arithmetic3A_12 : i32 to vector<16xi32>
    %shift_right_arithmetic3A_14 = arith.shrsi %iota3A, %shift_right_arithmetic3A_13 : vector<16xi32>
    %add3A_15 = arith.constant 4 : i32
    %add3A_16 = vector.broadcast %add3A_15 : i32 to vector<16xi32>
    %add3A_17 = arith.addi %shift_right_arithmetic3A_14, %add3A_16 : vector<16xi32>
    %shift_right_arithmetic3A_18 = arith.constant 3 : i32
    %shift_right_arithmetic3A_19 = vector.broadcast %shift_right_arithmetic3A_18 : i32 to vector<16xi32>
    %shift_right_arithmetic3A_20 = arith.shrsi %iota3A, %shift_right_arithmetic3A_19 : vector<16xi32>
    %add3A_21 = arith.constant 6 : i32
    %add3A_22 = vector.broadcast %add3A_21 : i32 to vector<16xi32>
    %add3A_23 = arith.addi %shift_right_arithmetic3A_20, %add3A_22 : vector<16xi32>
    %and3A = arith.constant 7 : i32
    %and3A_24 = vector.broadcast %and3A : i32 to vector<16xi32>
    %and3A_25 = arith.andi %iota3A, %and3A_24 : vector<16xi32>
    %mul3A_26 = arith.constant 200 : i32
    %mul3A_27 = arith.muli %add3A, %mul3A_26 : i32
    "tpu.region"() ({
      %run_scoped3A = tpu.sem_alloc : memref<!tpu.dma_semaphore, #tpu.memory_space<semaphore_mem>>
      %dma_start3A_258 = arith.constant 0 : i32
      %dma_start3A_259 = tpu.memref_slice %arg2[%mul3A_27, %dma_start3A_258] : memref<6400x128xi32, #tpu.memory_space<hbm>> -> memref<200x128xi32, #tpu.memory_space<hbm>>
      %dma_start3A_260 = arith.constant 0 : i32
      %dma_start3A_261 = tpu.memref_slice %arg2[%mul3A_27, %dma_start3A_260] : memref<6400x128xi32, #tpu.memory_space<hbm>> -> memref<200x128xi32, #tpu.memory_space<hbm>>
      tpu.enqueue_dma source(%dma_start3A_261 : memref<200x128xi32, #tpu.memory_space<hbm>>) target(%arg5 : memref<200x128xi32, #tpu.memory_space<vmem>>) target_semaphore(%run_scoped3A : memref<!tpu.dma_semaphore, #tpu.memory_space<semaphore_mem>>)
      %dma_wait3A_262 = arith.constant 0 : i32
      %dma_wait3A_263 = tpu.memref_slice %arg2[%mul3A_27, %dma_wait3A_262] : memref<6400x128xi32, #tpu.memory_space<hbm>> -> memref<200x128xi32, #tpu.memory_space<hbm>>
      %dma_wait3A_264 = arith.constant 0 : i32
      %dma_wait3A_265 = tpu.memref_slice %arg2[%mul3A_27, %dma_wait3A_264] : memref<6400x128xi32, #tpu.memory_space<hbm>> -> memref<200x128xi32, #tpu.memory_space<hbm>>
      tpu.wait_dma2 semaphore(%run_scoped3A : memref<!tpu.dma_semaphore, #tpu.memory_space<semaphore_mem>>) src(%dma_wait3A_265 : memref<200x128xi32, #tpu.memory_space<hbm>>) dst(%arg5 : memref<200x128xi32, #tpu.memory_space<vmem>>)
      tpu.yield
    }) : () -> ()
    %dma_start3A = arith.constant 0 : i32
    %dma_start3A_28 = arith.constant 0 : i32
    %dma_start3A_29 = arith.constant 0 : i32
    %dma_start3A_30 = arith.constant 0 : i32
    %dma_start3A_31 = arith.constant 0 : i32
    %dma_start3A_32 = tpu.memref_slice %arg6[%dma_start3A_28, %dma_start3A_30, %dma_start3A_31] : memref<2x128x64xf32, #tpu.memory_space<vmem>> -> memref<1x128x64xf32, #tpu.memory_space<vmem>>
    %dma_start3A_33 = tpu.memref_squeeze %dma_start3A_32 : memref<1x128x64xf32, #tpu.memory_space<vmem>> -> memref<128x64xf32, #tpu.memory_space<vmem>>
    %dma_start3A_34 = arith.constant 0 : i32
    %dma_start3A_35 = tpu.memref_slice %arg5[%dma_start3A, %dma_start3A_34] : memref<200x128xi32, #tpu.memory_space<vmem>> -> memref<1x128xi32, #tpu.memory_space<vmem>>
    %dma_start3A_36 = tpu.memref_squeeze %dma_start3A_35 : memref<1x128xi32, #tpu.memory_space<vmem>> -> memref<128xi32, #tpu.memory_space<vmem>>
    %dma_start3A_37 = arith.constant 0 : i32
    %dma_start3A_38 = arith.constant 0 : i32
    %dma_start3A_39 = tpu.memref_slice %arg3[%dma_start3A_37, %dma_start3A_38] : memref<1000000x64xf32, #tpu.memory_space<hbm>> -> memref<1000000x64xf32, #tpu.memory_space<hbm>>
    %dma_start3A_40 = tpu.memref_slice %arg8[%dma_start3A_29] : memref<2x!tpu.dma_semaphore, #tpu.memory_space<semaphore_mem>> -> memref<1x!tpu.dma_semaphore, #tpu.memory_space<semaphore_mem>>
    %dma_start3A_41 = tpu.memref_squeeze %dma_start3A_40 : memref<1x!tpu.dma_semaphore, #tpu.memory_space<semaphore_mem>> -> memref<!tpu.dma_semaphore, #tpu.memory_space<semaphore_mem>>
    tpu.enqueue_indirect_dma source(%dma_start3A_39 : memref<1000000x64xf32, #tpu.memory_space<hbm>>) target(%dma_start3A_33 : memref<128x64xf32, #tpu.memory_space<vmem>>) offsets(%dma_start3A_36 : memref<128xi32, #tpu.memory_space<vmem>>) semaphore(%dma_start3A_41 : memref<!tpu.dma_semaphore, #tpu.memory_space<semaphore_mem>>)
    %dma_start3A_42 = arith.constant 1 : i32
    %dma_start3A_43 = arith.constant 1 : i32
    %dma_start3A_44 = arith.constant 1 : i32
    %dma_start3A_45 = arith.constant 0 : i32
    %dma_start3A_46 = arith.constant 0 : i32
    %dma_start3A_47 = tpu.memref_slice %arg6[%dma_start3A_43, %dma_start3A_45, %dma_start3A_46] : memref<2x128x64xf32, #tpu.memory_space<vmem>> -> memref<1x128x64xf32, #tpu.memory_space<vmem>>
    %dma_start3A_48 = tpu.memref_squeeze %dma_start3A_47 : memref<1x128x64xf32, #tpu.memory_space<vmem>> -> memref<128x64xf32, #tpu.memory_space<vmem>>
    %dma_start3A_49 = arith.constant 0 : i32
    %dma_start3A_50 = tpu.memref_slice %arg5[%dma_start3A_42, %dma_start3A_49] : memref<200x128xi32, #tpu.memory_space<vmem>> -> memref<1x128xi32, #tpu.memory_space<vmem>>
    %dma_start3A_51 = tpu.memref_squeeze %dma_start3A_50 : memref<1x128xi32, #tpu.memory_space<vmem>> -> memref<128xi32, #tpu.memory_space<vmem>>
    %dma_start3A_52 = arith.constant 0 : i32
    %dma_start3A_53 = arith.constant 0 : i32
    %dma_start3A_54 = tpu.memref_slice %arg3[%dma_start3A_52, %dma_start3A_53] : memref<1000000x64xf32, #tpu.memory_space<hbm>> -> memref<1000000x64xf32, #tpu.memory_space<hbm>>
    %dma_start3A_55 = tpu.memref_slice %arg8[%dma_start3A_44] : memref<2x!tpu.dma_semaphore, #tpu.memory_space<semaphore_mem>> -> memref<1x!tpu.dma_semaphore, #tpu.memory_space<semaphore_mem>>
    %dma_start3A_56 = tpu.memref_squeeze %dma_start3A_55 : memref<1x!tpu.dma_semaphore, #tpu.memory_space<semaphore_mem>> -> memref<!tpu.dma_semaphore, #tpu.memory_space<semaphore_mem>>
    tpu.enqueue_indirect_dma source(%dma_start3A_54 : memref<1000000x64xf32, #tpu.memory_space<hbm>>) target(%dma_start3A_48 : memref<128x64xf32, #tpu.memory_space<vmem>>) offsets(%dma_start3A_51 : memref<128xi32, #tpu.memory_space<vmem>>) semaphore(%dma_start3A_56 : memref<!tpu.dma_semaphore, #tpu.memory_space<semaphore_mem>>)
    %dma_wait3A = arith.constant 0 : i32
    %dma_wait3A_57 = arith.constant 0 : i32
    %dma_wait3A_58 = arith.constant 0 : i32
    %dma_wait3A_59 = arith.constant 0 : i32
    %dma_wait3A_60 = arith.constant 0 : i32
    %dma_wait3A_61 = tpu.memref_slice %arg6[%dma_wait3A_57, %dma_wait3A_59, %dma_wait3A_60] : memref<2x128x64xf32, #tpu.memory_space<vmem>> -> memref<1x128x64xf32, #tpu.memory_space<vmem>>
    %dma_wait3A_62 = tpu.memref_squeeze %dma_wait3A_61 : memref<1x128x64xf32, #tpu.memory_space<vmem>> -> memref<128x64xf32, #tpu.memory_space<vmem>>
    %dma_wait3A_63 = arith.constant 0 : i32
    %dma_wait3A_64 = tpu.memref_slice %arg5[%dma_wait3A, %dma_wait3A_63] : memref<200x128xi32, #tpu.memory_space<vmem>> -> memref<1x128xi32, #tpu.memory_space<vmem>>
    %dma_wait3A_65 = tpu.memref_squeeze %dma_wait3A_64 : memref<1x128xi32, #tpu.memory_space<vmem>> -> memref<128xi32, #tpu.memory_space<vmem>>
    %dma_wait3A_66 = arith.constant 0 : i32
    %dma_wait3A_67 = arith.constant 0 : i32
    %dma_wait3A_68 = tpu.memref_slice %arg3[%dma_wait3A_66, %dma_wait3A_67] : memref<1000000x64xf32, #tpu.memory_space<hbm>> -> memref<1000000x64xf32, #tpu.memory_space<hbm>>
    %dma_wait3A_69 = tpu.memref_slice %arg8[%dma_wait3A_58] : memref<2x!tpu.dma_semaphore, #tpu.memory_space<semaphore_mem>> -> memref<1x!tpu.dma_semaphore, #tpu.memory_space<semaphore_mem>>
    %dma_wait3A_70 = tpu.memref_squeeze %dma_wait3A_69 : memref<1x!tpu.dma_semaphore, #tpu.memory_space<semaphore_mem>> -> memref<!tpu.dma_semaphore, #tpu.memory_space<semaphore_mem>>
    tpu.wait_indirect_dma semaphore(%dma_wait3A_70 : memref<!tpu.dma_semaphore, #tpu.memory_space<semaphore_mem>>) src(%dma_wait3A_68 : memref<1000000x64xf32, #tpu.memory_space<hbm>>) dst(%dma_wait3A_62 : memref<128x64xf32, #tpu.memory_space<vmem>>)
    %parallel_loop3A = arith.constant 0 : i32
    %parallel_loop3A_71 = arith.constant 128 : i32
    %parallel_loop3A_72 = arith.constant 1 : i32
    %parallel_loop3A_73 = arith.constant 0 : i32
    %parallel_loop3A_74 = arith.constant 0 : i32
    scf.for %parallel_loop3A_258 = %parallel_loop3A to %parallel_loop3A_71 step %parallel_loop3A_72  : i32 {
      %parallel_loop3A_259 = vector.broadcast %parallel_loop3A_258 : i32 to vector<16xi32>
      %parallel_loop3A_260 = arith.constant 0 : i32
      %parallel_loop3A_261 = arith.constant 0 : i32
      %parallel_loop3A_262 = tpu.memref_slice %arg6[%parallel_loop3A_73, %parallel_loop3A_260, %parallel_loop3A_261] : memref<2x128x64xf32, #tpu.memory_space<vmem>> -> memref<1x128x64xf32, #tpu.memory_space<vmem>>
      %parallel_loop3A_263 = tpu.memref_squeeze %parallel_loop3A_262 : memref<1x128x64xf32, #tpu.memory_space<vmem>> -> memref<128x64xf32, #tpu.memory_space<vmem>>
      %parallel_loop3A_264 = arith.index_cast %parallel_loop3A_258 : i32 to index
      %parallel_loop3A_265 = arith.constant 0 : index
      %parallel_loop3A_266 = tpu.vector_load %parallel_loop3A_263[%parallel_loop3A_264, %parallel_loop3A_265] {strides = array<i32>} : memref<128x64xf32, #tpu.memory_space<vmem>>, vector<16xf32>,
      %parallel_loop3A_267 = arith.constant 8.000000e+00 : f32
      %parallel_loop3A_268 = vector.broadcast %parallel_loop3A_267 : f32 to vector<16xf32>
      %parallel_loop3A_269 = arith.mulf %parallel_loop3A_266, %parallel_loop3A_268 : vector<16xf32>
      %parallel_loop3A_270 = arith.constant 0 : i32
      %parallel_loop3A_271 = arith.constant 0 : i32
      %parallel_loop3A_272 = arith.constant 0 : i32
      %parallel_loop3A_273 = tpu.memref_slice %arg7[%parallel_loop3A_74, %parallel_loop3A_270, %parallel_loop3A_271, %parallel_loop3A_272] : memref<2x8x8x129xf32, #tpu.memory_space<vmem>> -> memref<1x8x8x129xf32, #tpu.memory_space<vmem>>
      %parallel_loop3A_274 = tpu.memref_squeeze %parallel_loop3A_273 : memref<1x8x8x129xf32, #tpu.memory_space<vmem>> -> memref<8x8x129xf32, #tpu.memory_space<vmem>>
      tpu.vector_store_idx %parallel_loop3A_274[%add3A_5, %and3A_25, %parallel_loop3A_259], %parallel_loop3A_269 : memref<8x8x129xf32, #tpu.memory_space<vmem>>[vector<16xi32>, vector<16xi32>, vector<16xi32>], vector<16xf32>,
      %parallel_loop3A_275 = arith.constant 0 : i32
      %parallel_loop3A_276 = arith.constant 0 : i32
      %parallel_loop3A_277 = tpu.memref_slice %arg6[%parallel_loop3A_73, %parallel_loop3A_275, %parallel_loop3A_276] : memref<2x128x64xf32, #tpu.memory_space<vmem>> -> memref<1x128x64xf32, #tpu.memory_space<vmem>>
      %parallel_loop3A_278 = tpu.memref_squeeze %parallel_loop3A_277 : memref<1x128x64xf32, #tpu.memory_space<vmem>> -> memref<128x64xf32, #tpu.memory_space<vmem>>
      %parallel_loop3A_279 = arith.index_cast %parallel_loop3A_258 : i32 to index
      %parallel_loop3A_280 = arith.constant 16 : index
      %parallel_loop3A_281 = tpu.vector_load %parallel_loop3A_278[%parallel_loop3A_279, %parallel_loop3A_280] {strides = array<i32>} : memref<128x64xf32, #tpu.memory_space<vmem>>, vector<16xf32>,
      %parallel_loop3A_282 = arith.constant 8.000000e+00 : f32
      %parallel_loop3A_283 = vector.broadcast %parallel_loop3A_282 : f32 to vector<16xf32>
      %parallel_loop3A_284 = arith.mulf %parallel_loop3A_281, %parallel_loop3A_283 : vector<16xf32>
      %parallel_loop3A_285 = arith.constant 0 : i32
      %parallel_loop3A_286 = arith.constant 0 : i32
      %parallel_loop3A_287 = arith.constant 0 : i32
      %parallel_loop3A_288 = tpu.memref_slice %arg7[%parallel_loop3A_74, %parallel_loop3A_285, %parallel_loop3A_286, %parallel_loop3A_287] : memref<2x8x8x129xf32, #tpu.memory_space<vmem>> -> memref<1x8x8x129xf32, #tpu.memory_space<vmem>>
      %parallel_loop3A_289 = tpu.memref_squeeze %parallel_loop3A_288 : memref<1x8x8x129xf32, #tpu.memory_space<vmem>> -> memref<8x8x129xf32, #tpu.memory_space<vmem>>
      tpu.vector_store_idx %parallel_loop3A_289[%add3A_11, %and3A_25, %parallel_loop3A_259], %parallel_loop3A_284 : memref<8x8x129xf32, #tpu.memory_space<vmem>>[vector<16xi32>, vector<16xi32>, vector<16xi32>], vector<16xf32>,
      %parallel_loop3A_290 = arith.constant 0 : i32
      %parallel_loop3A_291 = arith.constant 0 : i32
      %parallel_loop3A_292 = tpu.memref_slice %arg6[%parallel_loop3A_73, %parallel_loop3A_290, %parallel_loop3A_291] : memref<2x128x64xf32, #tpu.memory_space<vmem>> -> memref<1x128x64xf32, #tpu.memory_space<vmem>>
      %parallel_loop3A_293 = tpu.memref_squeeze %parallel_loop3A_292 : memref<1x128x64xf32, #tpu.memory_space<vmem>> -> memref<128x64xf32, #tpu.memory_space<vmem>>
      %parallel_loop3A_294 = arith.index_cast %parallel_loop3A_258 : i32 to index
      %parallel_loop3A_295 = arith.constant 32 : index
      %parallel_loop3A_296 = tpu.vector_load %parallel_loop3A_293[%parallel_loop3A_294, %parallel_loop3A_295] {strides = array<i32>} : memref<128x64xf32, #tpu.memory_space<vmem>>, vector<16xf32>,
      %parallel_loop3A_297 = arith.constant 8.000000e+00 : f32
      %parallel_loop3A_298 = vector.broadcast %parallel_loop3A_297 : f32 to vector<16xf32>
      %parallel_loop3A_299 = arith.mulf %parallel_loop3A_296, %parallel_loop3A_298 : vector<16xf32>
      %parallel_loop3A_300 = arith.constant 0 : i32
      %parallel_loop3A_301 = arith.constant 0 : i32
      %parallel_loop3A_302 = arith.constant 0 : i32
      %parallel_loop3A_303 = tpu.memref_slice %arg7[%parallel_loop3A_74, %parallel_loop3A_300, %parallel_loop3A_301, %parallel_loop3A_302] : memref<2x8x8x129xf32, #tpu.memory_space<vmem>> -> memref<1x8x8x129xf32, #tpu.memory_space<vmem>>
      %parallel_loop3A_304 = tpu.memref_squeeze %parallel_loop3A_303 : memref<1x8x8x129xf32, #tpu.memory_space<vmem>> -> memref<8x8x129xf32, #tpu.memory_space<vmem>>
      tpu.vector_store_idx %parallel_loop3A_304[%add3A_17, %and3A_25, %parallel_loop3A_259], %parallel_loop3A_299 : memref<8x8x129xf32, #tpu.memory_space<vmem>>[vector<16xi32>, vector<16xi32>, vector<16xi32>], vector<16xf32>,
      %parallel_loop3A_305 = arith.constant 0 : i32
      %parallel_loop3A_306 = arith.constant 0 : i32
      %parallel_loop3A_307 = tpu.memref_slice %arg6[%parallel_loop3A_73, %parallel_loop3A_305, %parallel_loop3A_306] : memref<2x128x64xf32, #tpu.memory_space<vmem>> -> memref<1x128x64xf32, #tpu.memory_space<vmem>>
      %parallel_loop3A_308 = tpu.memref_squeeze %parallel_loop3A_307 : memref<1x128x64xf32, #tpu.memory_space<vmem>> -> memref<128x64xf32, #tpu.memory_space<vmem>>
      %parallel_loop3A_309 = arith.index_cast %parallel_loop3A_258 : i32 to index
      %parallel_loop3A_310 = arith.constant 48 : index
      %parallel_loop3A_311 = tpu.vector_load %parallel_loop3A_308[%parallel_loop3A_309, %parallel_loop3A_310] {strides = array<i32>} : memref<128x64xf32, #tpu.memory_space<vmem>>, vector<16xf32>,
      %parallel_loop3A_312 = arith.constant 8.000000e+00 : f32
      %parallel_loop3A_313 = vector.broadcast %parallel_loop3A_312 : f32 to vector<16xf32>
      %parallel_loop3A_314 = arith.mulf %parallel_loop3A_311, %parallel_loop3A_313 : vector<16xf32>
      %parallel_loop3A_315 = arith.constant 0 : i32
      %parallel_loop3A_316 = arith.constant 0 : i32
      %parallel_loop3A_317 = arith.constant 0 : i32
      %parallel_loop3A_318 = tpu.memref_slice %arg7[%parallel_loop3A_74, %parallel_loop3A_315, %parallel_loop3A_316, %parallel_loop3A_317] : memref<2x8x8x129xf32, #tpu.memory_space<vmem>> -> memref<1x8x8x129xf32, #tpu.memory_space<vmem>>
      %parallel_loop3A_319 = tpu.memref_squeeze %parallel_loop3A_318 : memref<1x8x8x129xf32, #tpu.memory_space<vmem>> -> memref<8x8x129xf32, #tpu.memory_space<vmem>>
      tpu.vector_store_idx %parallel_loop3A_319[%add3A_23, %and3A_25, %parallel_loop3A_259], %parallel_loop3A_314 : memref<8x8x129xf32, #tpu.memory_space<vmem>>[vector<16xi32>, vector<16xi32>, vector<16xi32>], vector<16xf32>,
    } {sc.loop_unroll_factor = 4 : i64, sc.parallel_access}
    %mul3A_75 = arith.constant 200 : i32
    %mul3A_76 = arith.muli %add3A, %mul3A_75 : i32
    %add3A_77 = arith.constant 0 : i32
    %add3A_78 = arith.addi %mul3A_76, %add3A_77 : i32
    %shift_right_arithmetic3A_79 = arith.constant 5 : i32
    %shift_right_arithmetic3A_80 = arith.shrsi %add3A_78, %shift_right_arithmetic3A_79 : i32
    %and3A_81 = arith.constant 31 : i32
    %and3A_82 = arith.andi %add3A_78, %and3A_81 : i32
    %dma_start3A_83 = arith.constant 0 : i32
    %dma_start3A_84 = arith.constant 0 : i32
    %dma_start3A_85 = arith.constant 0 : i32
    %dma_start3A_86 = arith.constant 0 : i32
    %dma_start3A_87 = arith.constant 0 : i32
    %dma_start3A_88 = tpu.memref_slice %arg7[%dma_start3A_83, %dma_start3A_85, %dma_start3A_86, %dma_start3A_87] : memref<2x8x8x129xf32, #tpu.memory_space<vmem>> -> memref<1x8x8x128xf32, #tpu.memory_space<vmem>>
    %dma_start3A_89 = tpu.memref_squeeze %dma_start3A_88 : memref<1x8x8x128xf32, #tpu.memory_space<vmem>> -> memref<8x8x128xf32, #tpu.memory_space<vmem>>
    %dma_start3A_90 = arith.constant 0 : i32
    %dma_start3A_91 = arith.constant 0 : i32
    %dma_start3A_92 = arith.constant 0 : i32
    %dma_start3A_93 = tpu.memref_slice %arg4[%shift_right_arithmetic3A_80, %dma_start3A_90, %and3A_82, %dma_start3A_91, %dma_start3A_92] : memref<200x8x32x8x128xf32, #tpu.memory_space<hbm>> -> memref<1x8x1x8x128xf32, #tpu.memory_space<hbm>>
    %dma_start3A_94 = tpu.memref_squeeze %dma_start3A_93 : memref<1x8x1x8x128xf32, #tpu.memory_space<hbm>> -> memref<8x8x128xf32, #tpu.memory_space<hbm>>
    %dma_start3A_95 = tpu.memref_slice %arg9[%dma_start3A_84] : memref<2x!tpu.dma_semaphore, #tpu.memory_space<semaphore_mem>> -> memref<1x!tpu.dma_semaphore, #tpu.memory_space<semaphore_mem>>
    %dma_start3A_96 = tpu.memref_squeeze %dma_start3A_95 : memref<1x!tpu.dma_semaphore, #tpu.memory_space<semaphore_mem>> -> memref<!tpu.dma_semaphore, #tpu.memory_space<semaphore_mem>>
    %dma_start3A_97 = arith.constant 0 : i32
    %dma_start3A_98 = arith.constant 0 : i32
    %dma_start3A_99 = arith.constant 0 : i32
    %dma_start3A_100 = tpu.memref_slice %arg4[%shift_right_arithmetic3A_80, %dma_start3A_97, %and3A_82, %dma_start3A_98, %dma_start3A_99] : memref<200x8x32x8x128xf32, #tpu.memory_space<hbm>> -> memref<1x8x1x8x128xf32, #tpu.memory_space<hbm>>
    %dma_start3A_101 = tpu.memref_squeeze %dma_start3A_100 : memref<1x8x1x8x128xf32, #tpu.memory_space<hbm>> -> memref<8x8x128xf32, #tpu.memory_space<hbm>>
    %dma_start3A_102 = arith.constant 0 : i32
    %dma_start3A_103 = arith.constant 0 : i32
    %dma_start3A_104 = arith.constant 0 : i32
    %dma_start3A_105 = tpu.memref_slice %arg7[%dma_start3A_83, %dma_start3A_102, %dma_start3A_103, %dma_start3A_104] : memref<2x8x8x129xf32, #tpu.memory_space<vmem>> -> memref<1x8x8x128xf32, #tpu.memory_space<vmem>>
    %dma_start3A_106 = tpu.memref_squeeze %dma_start3A_105 : memref<1x8x8x128xf32, #tpu.memory_space<vmem>> -> memref<8x8x128xf32, #tpu.memory_space<vmem>>
    tpu.enqueue_dma source(%dma_start3A_106 : memref<8x8x128xf32, #tpu.memory_space<vmem>>) target(%dma_start3A_101 : memref<8x8x128xf32, #tpu.memory_space<hbm>>) target_semaphore(%dma_start3A_96 : memref<!tpu.dma_semaphore, #tpu.memory_space<semaphore_mem>>)
    %dma_start3A_107 = arith.constant 2 : i32
    %dma_start3A_108 = arith.constant 0 : i32
    %dma_start3A_109 = arith.constant 0 : i32
    %dma_start3A_110 = arith.constant 0 : i32
    %dma_start3A_111 = arith.constant 0 : i32
    %dma_start3A_112 = tpu.memref_slice %arg6[%dma_start3A_108, %dma_start3A_110, %dma_start3A_111] : memref<2x128x64xf32, #tpu.memory_space<vmem>> -> memref<1x128x64xf32, #tpu.memory_space<vmem>>
    %dma_start3A_113 = tpu.memref_squeeze %dma_start3A_112 : memref<1x128x64xf32, #tpu.memory_space<vmem>> -> memref<128x64xf32, #tpu.memory_space<vmem>>
    %dma_start3A_114 = arith.constant 0 : i32
    %dma_start3A_115 = tpu.memref_slice %arg5[%dma_start3A_107, %dma_start3A_114] : memref<200x128xi32, #tpu.memory_space<vmem>> -> memref<1x128xi32, #tpu.memory_space<vmem>>
    %dma_start3A_116 = tpu.memref_squeeze %dma_start3A_115 : memref<1x128xi32, #tpu.memory_space<vmem>> -> memref<128xi32, #tpu.memory_space<vmem>>
    %dma_start3A_117 = arith.constant 0 : i32
    %dma_start3A_118 = arith.constant 0 : i32
    %dma_start3A_119 = tpu.memref_slice %arg3[%dma_start3A_117, %dma_start3A_118] : memref<1000000x64xf32, #tpu.memory_space<hbm>> -> memref<1000000x64xf32, #tpu.memory_space<hbm>>
    %dma_start3A_120 = tpu.memref_slice %arg8[%dma_start3A_109] : memref<2x!tpu.dma_semaphore, #tpu.memory_space<semaphore_mem>> -> memref<1x!tpu.dma_semaphore, #tpu.memory_space<semaphore_mem>>
    %dma_start3A_121 = tpu.memref_squeeze %dma_start3A_120 : memref<1x!tpu.dma_semaphore, #tpu.memory_space<semaphore_mem>> -> memref<!tpu.dma_semaphore, #tpu.memory_space<semaphore_mem>>
    tpu.enqueue_indirect_dma source(%dma_start3A_119 : memref<1000000x64xf32, #tpu.memory_space<hbm>>) target(%dma_start3A_113 : memref<128x64xf32, #tpu.memory_space<vmem>>) offsets(%dma_start3A_116 : memref<128xi32, #tpu.memory_space<vmem>>) semaphore(%dma_start3A_121 : memref<!tpu.dma_semaphore, #tpu.memory_space<semaphore_mem>>)
    %dma_wait3A_122 = arith.constant 1 : i32
    %dma_wait3A_123 = arith.constant 1 : i32
    %dma_wait3A_124 = arith.constant 1 : i32
    %dma_wait3A_125 = arith.constant 0 : i32
    %dma_wait3A_126 = arith.constant 0 : i32
    %dma_wait3A_127 = tpu.memref_slice %arg6[%dma_wait3A_123, %dma_wait3A_125, %dma_wait3A_126] : memref<2x128x64xf32, #tpu.memory_space<vmem>> -> memref<1x128x64xf32, #tpu.memory_space<vmem>>
    %dma_wait3A_128 = tpu.memref_squeeze %dma_wait3A_127 : memref<1x128x64xf32, #tpu.memory_space<vmem>> -> memref<128x64xf32, #tpu.memory_space<vmem>>
    %dma_wait3A_129 = arith.constant 0 : i32
    %dma_wait3A_130 = tpu.memref_slice %arg5[%dma_wait3A_122, %dma_wait3A_129] : memref<200x128xi32, #tpu.memory_space<vmem>> -> memref<1x128xi32, #tpu.memory_space<vmem>>
    %dma_wait3A_131 = tpu.memref_squeeze %dma_wait3A_130 : memref<1x128xi32, #tpu.memory_space<vmem>> -> memref<128xi32, #tpu.memory_space<vmem>>
    %dma_wait3A_132 = arith.constant 0 : i32
    %dma_wait3A_133 = arith.constant 0 : i32
    %dma_wait3A_134 = tpu.memref_slice %arg3[%dma_wait3A_132, %dma_wait3A_133] : memref<1000000x64xf32, #tpu.memory_space<hbm>> -> memref<1000000x64xf32, #tpu.memory_space<hbm>>
    %dma_wait3A_135 = tpu.memref_slice %arg8[%dma_wait3A_124] : memref<2x!tpu.dma_semaphore, #tpu.memory_space<semaphore_mem>> -> memref<1x!tpu.dma_semaphore, #tpu.memory_space<semaphore_mem>>
    %dma_wait3A_136 = tpu.memref_squeeze %dma_wait3A_135 : memref<1x!tpu.dma_semaphore, #tpu.memory_space<semaphore_mem>> -> memref<!tpu.dma_semaphore, #tpu.memory_space<semaphore_mem>>
    tpu.wait_indirect_dma semaphore(%dma_wait3A_136 : memref<!tpu.dma_semaphore, #tpu.memory_space<semaphore_mem>>) src(%dma_wait3A_134 : memref<1000000x64xf32, #tpu.memory_space<hbm>>) dst(%dma_wait3A_128 : memref<128x64xf32, #tpu.memory_space<vmem>>)
    %parallel_loop3A_137 = arith.constant 0 : i32
    %parallel_loop3A_138 = arith.constant 128 : i32
    %parallel_loop3A_139 = arith.constant 1 : i32
    %parallel_loop3A_140 = arith.constant 1 : i32
    %parallel_loop3A_141 = arith.constant 1 : i32
    scf.for %parallel_loop3A_258 = %parallel_loop3A_137 to %parallel_loop3A_138 step %parallel_loop3A_139  : i32 {
      %parallel_loop3A_259 = vector.broadcast %parallel_loop3A_258 : i32 to vector<16xi32>
      %parallel_loop3A_260 = arith.constant 0 : i32
      %parallel_loop3A_261 = arith.constant 0 : i32
      %parallel_loop3A_262 = tpu.memref_slice %arg6[%parallel_loop3A_140, %parallel_loop3A_260, %parallel_loop3A_261] : memref<2x128x64xf32, #tpu.memory_space<vmem>> -> memref<1x128x64xf32, #tpu.memory_space<vmem>>
      %parallel_loop3A_263 = tpu.memref_squeeze %parallel_loop3A_262 : memref<1x128x64xf32, #tpu.memory_space<vmem>> -> memref<128x64xf32, #tpu.memory_space<vmem>>
      %parallel_loop3A_264 = arith.index_cast %parallel_loop3A_258 : i32 to index
      %parallel_loop3A_265 = arith.constant 0 : index
      %parallel_loop3A_266 = tpu.vector_load %parallel_loop3A_263[%parallel_loop3A_264, %parallel_loop3A_265] {strides = array<i32>} : memref<128x64xf32, #tpu.memory_space<vmem>>, vector<16xf32>,
      %parallel_loop3A_267 = arith.constant 8.000000e+00 : f32
      %parallel_loop3A_268 = vector.broadcast %parallel_loop3A_267 : f32 to vector<16xf32>
      %parallel_loop3A_269 = arith.mulf %parallel_loop3A_266, %parallel_loop3A_268 : vector<16xf32>
      %parallel_loop3A_270 = arith.constant 0 : i32
      %parallel_loop3A_271 = arith.constant 0 : i32
      %parallel_loop3A_272 = arith.constant 0 : i32
      %parallel_loop3A_273 = tpu.memref_slice %arg7[%parallel_loop3A_141, %parallel_loop3A_270, %parallel_loop3A_271, %parallel_loop3A_272] : memref<2x8x8x129xf32, #tpu.memory_space<vmem>> -> memref<1x8x8x129xf32, #tpu.memory_space<vmem>>
      %parallel_loop3A_274 = tpu.memref_squeeze %parallel_loop3A_273 : memref<1x8x8x129xf32, #tpu.memory_space<vmem>> -> memref<8x8x129xf32, #tpu.memory_space<vmem>>
      tpu.vector_store_idx %parallel_loop3A_274[%add3A_5, %and3A_25, %parallel_loop3A_259], %parallel_loop3A_269 : memref<8x8x129xf32, #tpu.memory_space<vmem>>[vector<16xi32>, vector<16xi32>, vector<16xi32>], vector<16xf32>,
      %parallel_loop3A_275 = arith.constant 0 : i32
      %parallel_loop3A_276 = arith.constant 0 : i32
      %parallel_loop3A_277 = tpu.memref_slice %arg6[%parallel_loop3A_140, %parallel_loop3A_275, %parallel_loop3A_276] : memref<2x128x64xf32, #tpu.memory_space<vmem>> -> memref<1x128x64xf32, #tpu.memory_space<vmem>>
      %parallel_loop3A_278 = tpu.memref_squeeze %parallel_loop3A_277 : memref<1x128x64xf32, #tpu.memory_space<vmem>> -> memref<128x64xf32, #tpu.memory_space<vmem>>
      %parallel_loop3A_279 = arith.index_cast %parallel_loop3A_258 : i32 to index
      %parallel_loop3A_280 = arith.constant 16 : index
      %parallel_loop3A_281 = tpu.vector_load %parallel_loop3A_278[%parallel_loop3A_279, %parallel_loop3A_280] {strides = array<i32>} : memref<128x64xf32, #tpu.memory_space<vmem>>, vector<16xf32>,
      %parallel_loop3A_282 = arith.constant 8.000000e+00 : f32
      %parallel_loop3A_283 = vector.broadcast %parallel_loop3A_282 : f32 to vector<16xf32>
      %parallel_loop3A_284 = arith.mulf %parallel_loop3A_281, %parallel_loop3A_283 : vector<16xf32>
      %parallel_loop3A_285 = arith.constant 0 : i32
      %parallel_loop3A_286 = arith.constant 0 : i32
      %parallel_loop3A_287 = arith.constant 0 : i32
      %parallel_loop3A_288 = tpu.memref_slice %arg7[%parallel_loop3A_141, %parallel_loop3A_285, %parallel_loop3A_286, %parallel_loop3A_287] : memref<2x8x8x129xf32, #tpu.memory_space<vmem>> -> memref<1x8x8x129xf32, #tpu.memory_space<vmem>>
      %parallel_loop3A_289 = tpu.memref_squeeze %parallel_loop3A_288 : memref<1x8x8x129xf32, #tpu.memory_space<vmem>> -> memref<8x8x129xf32, #tpu.memory_space<vmem>>
      tpu.vector_store_idx %parallel_loop3A_289[%add3A_11, %and3A_25, %parallel_loop3A_259], %parallel_loop3A_284 : memref<8x8x129xf32, #tpu.memory_space<vmem>>[vector<16xi32>, vector<16xi32>, vector<16xi32>], vector<16xf32>,
      %parallel_loop3A_290 = arith.constant 0 : i32
      %parallel_loop3A_291 = arith.constant 0 : i32
      %parallel_loop3A_292 = tpu.memref_slice %arg6[%parallel_loop3A_140, %parallel_loop3A_290, %parallel_loop3A_291] : memref<2x128x64xf32, #tpu.memory_space<vmem>> -> memref<1x128x64xf32, #tpu.memory_space<vmem>>
      %parallel_loop3A_293 = tpu.memref_squeeze %parallel_loop3A_292 : memref<1x128x64xf32, #tpu.memory_space<vmem>> -> memref<128x64xf32, #tpu.memory_space<vmem>>
      %parallel_loop3A_294 = arith.index_cast %parallel_loop3A_258 : i32 to index
      %parallel_loop3A_295 = arith.constant 32 : index
      %parallel_loop3A_296 = tpu.vector_load %parallel_loop3A_293[%parallel_loop3A_294, %parallel_loop3A_295] {strides = array<i32>} : memref<128x64xf32, #tpu.memory_space<vmem>>, vector<16xf32>,
      %parallel_loop3A_297 = arith.constant 8.000000e+00 : f32
      %parallel_loop3A_298 = vector.broadcast %parallel_loop3A_297 : f32 to vector<16xf32>
      %parallel_loop3A_299 = arith.mulf %parallel_loop3A_296, %parallel_loop3A_298 : vector<16xf32>
      %parallel_loop3A_300 = arith.constant 0 : i32
      %parallel_loop3A_301 = arith.constant 0 : i32
      %parallel_loop3A_302 = arith.constant 0 : i32
      %parallel_loop3A_303 = tpu.memref_slice %arg7[%parallel_loop3A_141, %parallel_loop3A_300, %parallel_loop3A_301, %parallel_loop3A_302] : memref<2x8x8x129xf32, #tpu.memory_space<vmem>> -> memref<1x8x8x129xf32, #tpu.memory_space<vmem>>
      %parallel_loop3A_304 = tpu.memref_squeeze %parallel_loop3A_303 : memref<1x8x8x129xf32, #tpu.memory_space<vmem>> -> memref<8x8x129xf32, #tpu.memory_space<vmem>>
      tpu.vector_store_idx %parallel_loop3A_304[%add3A_17, %and3A_25, %parallel_loop3A_259], %parallel_loop3A_299 : memref<8x8x129xf32, #tpu.memory_space<vmem>>[vector<16xi32>, vector<16xi32>, vector<16xi32>], vector<16xf32>,
      %parallel_loop3A_305 = arith.constant 0 : i32
      %parallel_loop3A_306 = arith.constant 0 : i32
      %parallel_loop3A_307 = tpu.memref_slice %arg6[%parallel_loop3A_140, %parallel_loop3A_305, %parallel_loop3A_306] : memref<2x128x64xf32, #tpu.memory_space<vmem>> -> memref<1x128x64xf32, #tpu.memory_space<vmem>>
      %parallel_loop3A_308 = tpu.memref_squeeze %parallel_loop3A_307 : memref<1x128x64xf32, #tpu.memory_space<vmem>> -> memref<128x64xf32, #tpu.memory_space<vmem>>
      %parallel_loop3A_309 = arith.index_cast %parallel_loop3A_258 : i32 to index
      %parallel_loop3A_310 = arith.constant 48 : index
      %parallel_loop3A_311 = tpu.vector_load %parallel_loop3A_308[%parallel_loop3A_309, %parallel_loop3A_310] {strides = array<i32>} : memref<128x64xf32, #tpu.memory_space<vmem>>, vector<16xf32>,
      %parallel_loop3A_312 = arith.constant 8.000000e+00 : f32
      %parallel_loop3A_313 = vector.broadcast %parallel_loop3A_312 : f32 to vector<16xf32>
      %parallel_loop3A_314 = arith.mulf %parallel_loop3A_311, %parallel_loop3A_313 : vector<16xf32>
      %parallel_loop3A_315 = arith.constant 0 : i32
      %parallel_loop3A_316 = arith.constant 0 : i32
      %parallel_loop3A_317 = arith.constant 0 : i32
      %parallel_loop3A_318 = tpu.memref_slice %arg7[%parallel_loop3A_141, %parallel_loop3A_315, %parallel_loop3A_316, %parallel_loop3A_317] : memref<2x8x8x129xf32, #tpu.memory_space<vmem>> -> memref<1x8x8x129xf32, #tpu.memory_space<vmem>>
      %parallel_loop3A_319 = tpu.memref_squeeze %parallel_loop3A_318 : memref<1x8x8x129xf32, #tpu.memory_space<vmem>> -> memref<8x8x129xf32, #tpu.memory_space<vmem>>
      tpu.vector_store_idx %parallel_loop3A_319[%add3A_23, %and3A_25, %parallel_loop3A_259], %parallel_loop3A_314 : memref<8x8x129xf32, #tpu.memory_space<vmem>>[vector<16xi32>, vector<16xi32>, vector<16xi32>], vector<16xf32>,
    } {sc.loop_unroll_factor = 4 : i64, sc.parallel_access}
    %mul3A_142 = arith.constant 200 : i32
    %mul3A_143 = arith.muli %add3A, %mul3A_142 : i32
    %add3A_144 = arith.constant 1 : i32
    %add3A_145 = arith.addi %mul3A_143, %add3A_144 : i32
    %shift_right_arithmetic3A_146 = arith.constant 5 : i32
    %shift_right_arithmetic3A_147 = arith.shrsi %add3A_145, %shift_right_arithmetic3A_146 : i32
    %and3A_148 = arith.constant 31 : i32
    %and3A_149 = arith.andi %add3A_145, %and3A_148 : i32
    %dma_start3A_150 = arith.constant 1 : i32
    %dma_start3A_151 = arith.constant 1 : i32
    %dma_start3A_152 = arith.constant 0 : i32
    %dma_start3A_153 = arith.constant 0 : i32
    %dma_start3A_154 = arith.constant 0 : i32
    %dma_start3A_155 = tpu.memref_slice %arg7[%dma_start3A_150, %dma_start3A_152, %dma_start3A_153, %dma_start3A_154] : memref<2x8x8x129xf32, #tpu.memory_space<vmem>> -> memref<1x8x8x128xf32, #tpu.memory_space<vmem>>
    %dma_start3A_156 = tpu.memref_squeeze %dma_start3A_155 : memref<1x8x8x128xf32, #tpu.memory_space<vmem>> -> memref<8x8x128xf32, #tpu.memory_space<vmem>>
    %dma_start3A_157 = arith.constant 0 : i32
    %dma_start3A_158 = arith.constant 0 : i32
    %dma_start3A_159 = arith.constant 0 : i32
    %dma_start3A_160 = tpu.memref_slice %arg4[%shift_right_arithmetic3A_147, %dma_start3A_157, %and3A_149, %dma_start3A_158, %dma_start3A_159] : memref<200x8x32x8x128xf32, #tpu.memory_space<hbm>> -> memref<1x8x1x8x128xf32, #tpu.memory_space<hbm>>
    %dma_start3A_161 = tpu.memref_squeeze %dma_start3A_160 : memref<1x8x1x8x128xf32, #tpu.memory_space<hbm>> -> memref<8x8x128xf32, #tpu.memory_space<hbm>>
    %dma_start3A_162 = tpu.memref_slice %arg9[%dma_start3A_151] : memref<2x!tpu.dma_semaphore, #tpu.memory_space<semaphore_mem>> -> memref<1x!tpu.dma_semaphore, #tpu.memory_space<semaphore_mem>>
    %dma_start3A_163 = tpu.memref_squeeze %dma_start3A_162 : memref<1x!tpu.dma_semaphore, #tpu.memory_space<semaphore_mem>> -> memref<!tpu.dma_semaphore, #tpu.memory_space<semaphore_mem>>
    %dma_start3A_164 = arith.constant 0 : i32
    %dma_start3A_165 = arith.constant 0 : i32
    %dma_start3A_166 = arith.constant 0 : i32
    %dma_start3A_167 = tpu.memref_slice %arg4[%shift_right_arithmetic3A_147, %dma_start3A_164, %and3A_149, %dma_start3A_165, %dma_start3A_166] : memref<200x8x32x8x128xf32, #tpu.memory_space<hbm>> -> memref<1x8x1x8x128xf32, #tpu.memory_space<hbm>>
    %dma_start3A_168 = tpu.memref_squeeze %dma_start3A_167 : memref<1x8x1x8x128xf32, #tpu.memory_space<hbm>> -> memref<8x8x128xf32, #tpu.memory_space<hbm>>
    %dma_start3A_169 = arith.constant 0 : i32
    %dma_start3A_170 = arith.constant 0 : i32
    %dma_start3A_171 = arith.constant 0 : i32
    %dma_start3A_172 = tpu.memref_slice %arg7[%dma_start3A_150, %dma_start3A_169, %dma_start3A_170, %dma_start3A_171] : memref<2x8x8x129xf32, #tpu.memory_space<vmem>> -> memref<1x8x8x128xf32, #tpu.memory_space<vmem>>
    %dma_start3A_173 = tpu.memref_squeeze %dma_start3A_172 : memref<1x8x8x128xf32, #tpu.memory_space<vmem>> -> memref<8x8x128xf32, #tpu.memory_space<vmem>>
    tpu.enqueue_dma source(%dma_start3A_173 : memref<8x8x128xf32, #tpu.memory_space<vmem>>) target(%dma_start3A_168 : memref<8x8x128xf32, #tpu.memory_space<hbm>>) target_semaphore(%dma_start3A_163 : memref<!tpu.dma_semaphore, #tpu.memory_space<semaphore_mem>>)
    %dma_start3A_174 = arith.constant 3 : i32
    %dma_start3A_175 = arith.constant 1 : i32
    %dma_start3A_176 = arith.constant 1 : i32
    %dma_start3A_177 = arith.constant 0 : i32
    %dma_start3A_178 = arith.constant 0 : i32
    %dma_start3A_179 = tpu.memref_slice %arg6[%dma_start3A_175, %dma_start3A_177, %dma_start3A_178] : memref<2x128x64xf32, #tpu.memory_space<vmem>> -> memref<1x128x64xf32, #tpu.memory_space<vmem>>
    %dma_start3A_180 = tpu.memref_squeeze %dma_start3A_179 : memref<1x128x64xf32, #tpu.memory_space<vmem>> -> memref<128x64xf32, #tpu.memory_space<vmem>>
    %dma_start3A_181 = arith.constant 0 : i32
    %dma_start3A_182 = tpu.memref_slice %arg5[%dma_start3A_174, %dma_start3A_181] : memref<200x128xi32, #tpu.memory_space<vmem>> -> memref<1x128xi32, #tpu.memory_space<vmem>>
    %dma_start3A_183 = tpu.memref_squeeze %dma_start3A_182 : memref<1x128xi32, #tpu.memory_space<vmem>> -> memref<128xi32, #tpu.memory_space<vmem>>
    %dma_start3A_184 = arith.constant 0 : i32
    %dma_start3A_185 = arith.constant 0 : i32
    %dma_start3A_186 = tpu.memref_slice %arg3[%dma_start3A_184, %dma_start3A_185] : memref<1000000x64xf32, #tpu.memory_space<hbm>> -> memref<1000000x64xf32, #tpu.memory_space<hbm>>
    %dma_start3A_187 = tpu.memref_slice %arg8[%dma_start3A_176] : memref<2x!tpu.dma_semaphore, #tpu.memory_space<semaphore_mem>> -> memref<1x!tpu.dma_semaphore, #tpu.memory_space<semaphore_mem>>
    %dma_start3A_188 = tpu.memref_squeeze %dma_start3A_187 : memref<1x!tpu.dma_semaphore, #tpu.memory_space<semaphore_mem>> -> memref<!tpu.dma_semaphore, #tpu.memory_space<semaphore_mem>>
    tpu.enqueue_indirect_dma source(%dma_start3A_186 : memref<1000000x64xf32, #tpu.memory_space<hbm>>) target(%dma_start3A_180 : memref<128x64xf32, #tpu.memory_space<vmem>>) offsets(%dma_start3A_183 : memref<128xi32, #tpu.memory_space<vmem>>) semaphore(%dma_start3A_188 : memref<!tpu.dma_semaphore, #tpu.memory_space<semaphore_mem>>)
    %scan3A = arith.constant 0 : i32
    %scan3A_189 = arith.constant 1 : i32
    %scan3A_190 = arith.constant 99 : i32
    %scan3A_191 = arith.addi %scan3A_189, %scan3A_190 : i32
    %scan3A_192 = arith.constant 1 : i32
    scf.for %scan3A_258 = %scan3A_189 to %scan3A_191 step %scan3A_192  : i32 {
      %mul3A_259 = arith.constant 2 : i32
      %mul3A_260 = arith.muli %mul3A_259, %scan3A_258 : i32
      %add3A_261 = arith.constant 0 : i32
      %add3A_262 = arith.addi %mul3A_260, %add3A_261 : i32
      %dma_wait3A_263 = arith.constant 0 : i32
      %dma_wait3A_264 = arith.constant 0 : i32
      %dma_wait3A_265 = arith.constant 0 : i32
      %dma_wait3A_266 = arith.constant 0 : i32
      %dma_wait3A_267 = tpu.memref_slice %arg6[%dma_wait3A_263, %dma_wait3A_265, %dma_wait3A_266] : memref<2x128x64xf32, #tpu.memory_space<vmem>> -> memref<1x128x64xf32, #tpu.memory_space<vmem>>
      %dma_wait3A_268 = tpu.memref_squeeze %dma_wait3A_267 : memref<1x128x64xf32, #tpu.memory_space<vmem>> -> memref<128x64xf32, #tpu.memory_space<vmem>>
      %dma_wait3A_269 = arith.constant 0 : i32
      %dma_wait3A_270 = tpu.memref_slice %arg5[%add3A_262, %dma_wait3A_269] : memref<200x128xi32, #tpu.memory_space<vmem>> -> memref<1x128xi32, #tpu.memory_space<vmem>>
      %dma_wait3A_271 = tpu.memref_squeeze %dma_wait3A_270 : memref<1x128xi32, #tpu.memory_space<vmem>> -> memref<128xi32, #tpu.memory_space<vmem>>
      %dma_wait3A_272 = arith.constant 0 : i32
      %dma_wait3A_273 = arith.constant 0 : i32
      %dma_wait3A_274 = tpu.memref_slice %arg3[%dma_wait3A_272, %dma_wait3A_273] : memref<1000000x64xf32, #tpu.memory_space<hbm>> -> memref<1000000x64xf32, #tpu.memory_space<hbm>>
      %dma_wait3A_275 = tpu.memref_slice %arg8[%dma_wait3A_264] : memref<2x!tpu.dma_semaphore, #tpu.memory_space<semaphore_mem>> -> memref<1x!tpu.dma_semaphore, #tpu.memory_space<semaphore_mem>>
      %dma_wait3A_276 = tpu.memref_squeeze %dma_wait3A_275 : memref<1x!tpu.dma_semaphore, #tpu.memory_space<semaphore_mem>> -> memref<!tpu.dma_semaphore, #tpu.memory_space<semaphore_mem>>
      tpu.wait_indirect_dma semaphore(%dma_wait3A_276 : memref<!tpu.dma_semaphore, #tpu.memory_space<semaphore_mem>>) src(%dma_wait3A_274 : memref<1000000x64xf32, #tpu.memory_space<hbm>>) dst(%dma_wait3A_268 : memref<128x64xf32, #tpu.memory_space<vmem>>)
      %sub3A = arith.constant 2 : i32
      %sub3A_277 = arith.subi %add3A_262, %sub3A : i32
      %mul3A_278 = arith.constant 200 : i32
      %mul3A_279 = arith.muli %add3A, %mul3A_278 : i32
      %add3A_280 = arith.addi %mul3A_279, %sub3A_277 : i32
      %shift_right_arithmetic3A_281 = arith.constant 5 : i32
      %shift_right_arithmetic3A_282 = arith.shrsi %add3A_280, %shift_right_arithmetic3A_281 : i32
      %and3A_283 = arith.constant 31 : i32
      %and3A_284 = arith.andi %add3A_280, %and3A_283 : i32
      %dma_wait3A_285 = arith.constant 0 : i32
      %dma_wait3A_286 = arith.constant 0 : i32
      %dma_wait3A_287 = arith.constant 0 : i32
      %dma_wait3A_288 = arith.constant 0 : i32
      %dma_wait3A_289 = arith.constant 0 : i32
      %dma_wait3A_290 = tpu.memref_slice %arg7[%dma_wait3A_285, %dma_wait3A_287, %dma_wait3A_288, %dma_wait3A_289] : memref<2x8x8x129xf32, #tpu.memory_space<vmem>> -> memref<1x8x8x128xf32, #tpu.memory_space<vmem>>
      %dma_wait3A_291 = tpu.memref_squeeze %dma_wait3A_290 : memref<1x8x8x128xf32, #tpu.memory_space<vmem>> -> memref<8x8x128xf32, #tpu.memory_space<vmem>>
      %dma_wait3A_292 = arith.constant 0 : i32
      %dma_wait3A_293 = arith.constant 0 : i32
      %dma_wait3A_294 = arith.constant 0 : i32
      %dma_wait3A_295 = tpu.memref_slice %arg4[%shift_right_arithmetic3A_282, %dma_wait3A_292, %and3A_284, %dma_wait3A_293, %dma_wait3A_294] : memref<200x8x32x8x128xf32, #tpu.memory_space<hbm>> -> memref<1x8x1x8x128xf32, #tpu.memory_space<hbm>>
      %dma_wait3A_296 = tpu.memref_squeeze %dma_wait3A_295 : memref<1x8x1x8x128xf32, #tpu.memory_space<hbm>> -> memref<8x8x128xf32, #tpu.memory_space<hbm>>
      %dma_wait3A_297 = tpu.memref_slice %arg9[%dma_wait3A_286] : memref<2x!tpu.dma_semaphore, #tpu.memory_space<semaphore_mem>> -> memref<1x!tpu.dma_semaphore, #tpu.memory_space<semaphore_mem>>
      %dma_wait3A_298 = tpu.memref_squeeze %dma_wait3A_297 : memref<1x!tpu.dma_semaphore, #tpu.memory_space<semaphore_mem>> -> memref<!tpu.dma_semaphore, #tpu.memory_space<semaphore_mem>>
      %dma_wait3A_299 = arith.constant 0 : i32
      %dma_wait3A_300 = arith.constant 0 : i32
      %dma_wait3A_301 = arith.constant 0 : i32
      %dma_wait3A_302 = tpu.memref_slice %arg4[%shift_right_arithmetic3A_282, %dma_wait3A_299, %and3A_284, %dma_wait3A_300, %dma_wait3A_301] : memref<200x8x32x8x128xf32, #tpu.memory_space<hbm>> -> memref<1x8x1x8x128xf32, #tpu.memory_space<hbm>>
      %dma_wait3A_303 = tpu.memref_squeeze %dma_wait3A_302 : memref<1x8x1x8x128xf32, #tpu.memory_space<hbm>> -> memref<8x8x128xf32, #tpu.memory_space<hbm>>
      %dma_wait3A_304 = arith.constant 0 : i32
      %dma_wait3A_305 = arith.constant 0 : i32
      %dma_wait3A_306 = arith.constant 0 : i32
      %dma_wait3A_307 = tpu.memref_slice %arg7[%dma_wait3A_285, %dma_wait3A_304, %dma_wait3A_305, %dma_wait3A_306] : memref<2x8x8x129xf32, #tpu.memory_space<vmem>> -> memref<1x8x8x128xf32, #tpu.memory_space<vmem>>
      %dma_wait3A_308 = tpu.memref_squeeze %dma_wait3A_307 : memref<1x8x8x128xf32, #tpu.memory_space<vmem>> -> memref<8x8x128xf32, #tpu.memory_space<vmem>>
      tpu.wait_dma2 semaphore(%dma_wait3A_298 : memref<!tpu.dma_semaphore, #tpu.memory_space<semaphore_mem>>) src(%dma_wait3A_308 : memref<8x8x128xf32, #tpu.memory_space<vmem>>) dst(%dma_wait3A_303 : memref<8x8x128xf32, #tpu.memory_space<hbm>>)
      %parallel_loop3A_309 = arith.constant 0 : i32
      %parallel_loop3A_310 = arith.constant 128 : i32
      %parallel_loop3A_311 = arith.constant 1 : i32
      %parallel_loop3A_312 = arith.constant 0 : i32
      %parallel_loop3A_313 = arith.constant 0 : i32
      scf.for %parallel_loop3A_443 = %parallel_loop3A_309 to %parallel_loop3A_310 step %parallel_loop3A_311  : i32 {
        %parallel_loop3A_444 = vector.broadcast %parallel_loop3A_443 : i32 to vector<16xi32>
        %parallel_loop3A_445 = arith.constant 0 : i32
        %parallel_loop3A_446 = arith.constant 0 : i32
        %parallel_loop3A_447 = tpu.memref_slice %arg6[%parallel_loop3A_312, %parallel_loop3A_445, %parallel_loop3A_446] : memref<2x128x64xf32, #tpu.memory_space<vmem>> -> memref<1x128x64xf32, #tpu.memory_space<vmem>>
        %parallel_loop3A_448 = tpu.memref_squeeze %parallel_loop3A_447 : memref<1x128x64xf32, #tpu.memory_space<vmem>> -> memref<128x64xf32, #tpu.memory_space<vmem>>
        %parallel_loop3A_449 = arith.index_cast %parallel_loop3A_443 : i32 to index
        %parallel_loop3A_450 = arith.constant 0 : index
        %parallel_loop3A_451 = tpu.vector_load %parallel_loop3A_448[%parallel_loop3A_449, %parallel_loop3A_450] {strides = array<i32>} : memref<128x64xf32, #tpu.memory_space<vmem>>, vector<16xf32>,
        %parallel_loop3A_452 = arith.constant 8.000000e+00 : f32
        %parallel_loop3A_453 = vector.broadcast %parallel_loop3A_452 : f32 to vector<16xf32>
        %parallel_loop3A_454 = arith.mulf %parallel_loop3A_451, %parallel_loop3A_453 : vector<16xf32>
        %parallel_loop3A_455 = arith.constant 0 : i32
        %parallel_loop3A_456 = arith.constant 0 : i32
        %parallel_loop3A_457 = arith.constant 0 : i32
        %parallel_loop3A_458 = tpu.memref_slice %arg7[%parallel_loop3A_313, %parallel_loop3A_455, %parallel_loop3A_456, %parallel_loop3A_457] : memref<2x8x8x129xf32, #tpu.memory_space<vmem>> -> memref<1x8x8x129xf32, #tpu.memory_space<vmem>>
        %parallel_loop3A_459 = tpu.memref_squeeze %parallel_loop3A_458 : memref<1x8x8x129xf32, #tpu.memory_space<vmem>> -> memref<8x8x129xf32, #tpu.memory_space<vmem>>
        tpu.vector_store_idx %parallel_loop3A_459[%add3A_5, %and3A_25, %parallel_loop3A_444], %parallel_loop3A_454 : memref<8x8x129xf32, #tpu.memory_space<vmem>>[vector<16xi32>, vector<16xi32>, vector<16xi32>], vector<16xf32>,
        %parallel_loop3A_460 = arith.constant 0 : i32
        %parallel_loop3A_461 = arith.constant 0 : i32
        %parallel_loop3A_462 = tpu.memref_slice %arg6[%parallel_loop3A_312, %parallel_loop3A_460, %parallel_loop3A_461] : memref<2x128x64xf32, #tpu.memory_space<vmem>> -> memref<1x128x64xf32, #tpu.memory_space<vmem>>
        %parallel_loop3A_463 = tpu.memref_squeeze %parallel_loop3A_462 : memref<1x128x64xf32, #tpu.memory_space<vmem>> -> memref<128x64xf32, #tpu.memory_space<vmem>>
        %parallel_loop3A_464 = arith.index_cast %parallel_loop3A_443 : i32 to index
        %parallel_loop3A_465 = arith.constant 16 : index
        %parallel_loop3A_466 = tpu.vector_load %parallel_loop3A_463[%parallel_loop3A_464, %parallel_loop3A_465] {strides = array<i32>} : memref<128x64xf32, #tpu.memory_space<vmem>>, vector<16xf32>,
        %parallel_loop3A_467 = arith.constant 8.000000e+00 : f32
        %parallel_loop3A_468 = vector.broadcast %parallel_loop3A_467 : f32 to vector<16xf32>
        %parallel_loop3A_469 = arith.mulf %parallel_loop3A_466, %parallel_loop3A_468 : vector<16xf32>
        %parallel_loop3A_470 = arith.constant 0 : i32
        %parallel_loop3A_471 = arith.constant 0 : i32
        %parallel_loop3A_472 = arith.constant 0 : i32
        %parallel_loop3A_473 = tpu.memref_slice %arg7[%parallel_loop3A_313, %parallel_loop3A_470, %parallel_loop3A_471, %parallel_loop3A_472] : memref<2x8x8x129xf32, #tpu.memory_space<vmem>> -> memref<1x8x8x129xf32, #tpu.memory_space<vmem>>
        %parallel_loop3A_474 = tpu.memref_squeeze %parallel_loop3A_473 : memref<1x8x8x129xf32, #tpu.memory_space<vmem>> -> memref<8x8x129xf32, #tpu.memory_space<vmem>>
        tpu.vector_store_idx %parallel_loop3A_474[%add3A_11, %and3A_25, %parallel_loop3A_444], %parallel_loop3A_469 : memref<8x8x129xf32, #tpu.memory_space<vmem>>[vector<16xi32>, vector<16xi32>, vector<16xi32>], vector<16xf32>,
        %parallel_loop3A_475 = arith.constant 0 : i32
        %parallel_loop3A_476 = arith.constant 0 : i32
        %parallel_loop3A_477 = tpu.memref_slice %arg6[%parallel_loop3A_312, %parallel_loop3A_475, %parallel_loop3A_476] : memref<2x128x64xf32, #tpu.memory_space<vmem>> -> memref<1x128x64xf32, #tpu.memory_space<vmem>>
        %parallel_loop3A_478 = tpu.memref_squeeze %parallel_loop3A_477 : memref<1x128x64xf32, #tpu.memory_space<vmem>> -> memref<128x64xf32, #tpu.memory_space<vmem>>
        %parallel_loop3A_479 = arith.index_cast %parallel_loop3A_443 : i32 to index
        %parallel_loop3A_480 = arith.constant 32 : index
        %parallel_loop3A_481 = tpu.vector_load %parallel_loop3A_478[%parallel_loop3A_479, %parallel_loop3A_480] {strides = array<i32>} : memref<128x64xf32, #tpu.memory_space<vmem>>, vector<16xf32>,
        %parallel_loop3A_482 = arith.constant 8.000000e+00 : f32
        %parallel_loop3A_483 = vector.broadcast %parallel_loop3A_482 : f32 to vector<16xf32>
        %parallel_loop3A_484 = arith.mulf %parallel_loop3A_481, %parallel_loop3A_483 : vector<16xf32>
        %parallel_loop3A_485 = arith.constant 0 : i32
        %parallel_loop3A_486 = arith.constant 0 : i32
        %parallel_loop3A_487 = arith.constant 0 : i32
        %parallel_loop3A_488 = tpu.memref_slice %arg7[%parallel_loop3A_313, %parallel_loop3A_485, %parallel_loop3A_486, %parallel_loop3A_487] : memref<2x8x8x129xf32, #tpu.memory_space<vmem>> -> memref<1x8x8x129xf32, #tpu.memory_space<vmem>>
        %parallel_loop3A_489 = tpu.memref_squeeze %parallel_loop3A_488 : memref<1x8x8x129xf32, #tpu.memory_space<vmem>> -> memref<8x8x129xf32, #tpu.memory_space<vmem>>
        tpu.vector_store_idx %parallel_loop3A_489[%add3A_17, %and3A_25, %parallel_loop3A_444], %parallel_loop3A_484 : memref<8x8x129xf32, #tpu.memory_space<vmem>>[vector<16xi32>, vector<16xi32>, vector<16xi32>], vector<16xf32>,
        %parallel_loop3A_490 = arith.constant 0 : i32
        %parallel_loop3A_491 = arith.constant 0 : i32
        %parallel_loop3A_492 = tpu.memref_slice %arg6[%parallel_loop3A_312, %parallel_loop3A_490, %parallel_loop3A_491] : memref<2x128x64xf32, #tpu.memory_space<vmem>> -> memref<1x128x64xf32, #tpu.memory_space<vmem>>
        %parallel_loop3A_493 = tpu.memref_squeeze %parallel_loop3A_492 : memref<1x128x64xf32, #tpu.memory_space<vmem>> -> memref<128x64xf32, #tpu.memory_space<vmem>>
        %parallel_loop3A_494 = arith.index_cast %parallel_loop3A_443 : i32 to index
        %parallel_loop3A_495 = arith.constant 48 : index
        %parallel_loop3A_496 = tpu.vector_load %parallel_loop3A_493[%parallel_loop3A_494, %parallel_loop3A_495] {strides = array<i32>} : memref<128x64xf32, #tpu.memory_space<vmem>>, vector<16xf32>,
        %parallel_loop3A_497 = arith.constant 8.000000e+00 : f32
        %parallel_loop3A_498 = vector.broadcast %parallel_loop3A_497 : f32 to vector<16xf32>
        %parallel_loop3A_499 = arith.mulf %parallel_loop3A_496, %parallel_loop3A_498 : vector<16xf32>
        %parallel_loop3A_500 = arith.constant 0 : i32
        %parallel_loop3A_501 = arith.constant 0 : i32
        %parallel_loop3A_502 = arith.constant 0 : i32
        %parallel_loop3A_503 = tpu.memref_slice %arg7[%parallel_loop3A_313, %parallel_loop3A_500, %parallel_loop3A_501, %parallel_loop3A_502] : memref<2x8x8x129xf32, #tpu.memory_space<vmem>> -> memref<1x8x8x129xf32, #tpu.memory_space<vmem>>
        %parallel_loop3A_504 = tpu.memref_squeeze %parallel_loop3A_503 : memref<1x8x8x129xf32, #tpu.memory_space<vmem>> -> memref<8x8x129xf32, #tpu.memory_space<vmem>>
        tpu.vector_store_idx %parallel_loop3A_504[%add3A_23, %and3A_25, %parallel_loop3A_444], %parallel_loop3A_499 : memref<8x8x129xf32, #tpu.memory_space<vmem>>[vector<16xi32>, vector<16xi32>, vector<16xi32>], vector<16xf32>,
      } {sc.loop_unroll_factor = 4 : i64, sc.parallel_access}
      %mul3A_314 = arith.constant 200 : i32
      %mul3A_315 = arith.muli %add3A, %mul3A_314 : i32
      %add3A_316 = arith.addi %mul3A_315, %add3A_262 : i32
      %shift_right_arithmetic3A_317 = arith.constant 5 : i32
      %shift_right_arithmetic3A_318 = arith.shrsi %add3A_316, %shift_right_arithmetic3A_317 : i32
      %and3A_319 = arith.constant 31 : i32
      %and3A_320 = arith.andi %add3A_316, %and3A_319 : i32
      %dma_start3A_321 = arith.constant 0 : i32
      %dma_start3A_322 = arith.constant 0 : i32
      %dma_start3A_323 = arith.constant 0 : i32
      %dma_start3A_324 = arith.constant 0 : i32
      %dma_start3A_325 = arith.constant 0 : i32
      %dma_start3A_326 = tpu.memref_slice %arg7[%dma_start3A_321, %dma_start3A_323, %dma_start3A_324, %dma_start3A_325] : memref<2x8x8x129xf32, #tpu.memory_space<vmem>> -> memref<1x8x8x128xf32, #tpu.memory_space<vmem>>
      %dma_start3A_327 = tpu.memref_squeeze %dma_start3A_326 : memref<1x8x8x128xf32, #tpu.memory_space<vmem>> -> memref<8x8x128xf32, #tpu.memory_space<vmem>>
      %dma_start3A_328 = arith.constant 0 : i32
      %dma_start3A_329 = arith.constant 0 : i32
      %dma_start3A_330 = arith.constant 0 : i32
      %dma_start3A_331 = tpu.memref_slice %arg4[%shift_right_arithmetic3A_318, %dma_start3A_328, %and3A_320, %dma_start3A_329, %dma_start3A_330] : memref<200x8x32x8x128xf32, #tpu.memory_space<hbm>> -> memref<1x8x1x8x128xf32, #tpu.memory_space<hbm>>
      %dma_start3A_332 = tpu.memref_squeeze %dma_start3A_331 : memref<1x8x1x8x128xf32, #tpu.memory_space<hbm>> -> memref<8x8x128xf32, #tpu.memory_space<hbm>>
      %dma_start3A_333 = tpu.memref_slice %arg9[%dma_start3A_322] : memref<2x!tpu.dma_semaphore, #tpu.memory_space<semaphore_mem>> -> memref<1x!tpu.dma_semaphore, #tpu.memory_space<semaphore_mem>>
      %dma_start3A_334 = tpu.memref_squeeze %dma_start3A_333 : memref<1x!tpu.dma_semaphore, #tpu.memory_space<semaphore_mem>> -> memref<!tpu.dma_semaphore, #tpu.memory_space<semaphore_mem>>
      %dma_start3A_335 = arith.constant 0 : i32
      %dma_start3A_336 = arith.constant 0 : i32
      %dma_start3A_337 = arith.constant 0 : i32
      %dma_start3A_338 = tpu.memref_slice %arg4[%shift_right_arithmetic3A_318, %dma_start3A_335, %and3A_320, %dma_start3A_336, %dma_start3A_337] : memref<200x8x32x8x128xf32, #tpu.memory_space<hbm>> -> memref<1x8x1x8x128xf32, #tpu.memory_space<hbm>>
      %dma_start3A_339 = tpu.memref_squeeze %dma_start3A_338 : memref<1x8x1x8x128xf32, #tpu.memory_space<hbm>> -> memref<8x8x128xf32, #tpu.memory_space<hbm>>
      %dma_start3A_340 = arith.constant 0 : i32
      %dma_start3A_341 = arith.constant 0 : i32
      %dma_start3A_342 = arith.constant 0 : i32
      %dma_start3A_343 = tpu.memref_slice %arg7[%dma_start3A_321, %dma_start3A_340, %dma_start3A_341, %dma_start3A_342] : memref<2x8x8x129xf32, #tpu.memory_space<vmem>> -> memref<1x8x8x128xf32, #tpu.memory_space<vmem>>
      %dma_start3A_344 = tpu.memref_squeeze %dma_start3A_343 : memref<1x8x8x128xf32, #tpu.memory_space<vmem>> -> memref<8x8x128xf32, #tpu.memory_space<vmem>>
      tpu.enqueue_dma source(%dma_start3A_344 : memref<8x8x128xf32, #tpu.memory_space<vmem>>) target(%dma_start3A_339 : memref<8x8x128xf32, #tpu.memory_space<hbm>>) target_semaphore(%dma_start3A_334 : memref<!tpu.dma_semaphore, #tpu.memory_space<semaphore_mem>>)
      %add3A_345 = arith.constant 2 : i32
      %add3A_346 = arith.addi %add3A_262, %add3A_345 : i32
      %lt3A = arith.constant 200 : i32
      %lt3A_347 = arith.cmpi slt, %add3A_346, %lt3A : i32
      %convert_element_type3A = arith.extui %lt3A_347 : i1 to i32
      %cond3A = arith.constant 0 : i32
      %cond3A_348 = arith.cmpi ne, %convert_element_type3A, %cond3A : i32
      scf.if %cond3A_348 {
        %add3A_443 = arith.constant 2 : i32
        %add3A_444 = arith.addi %add3A_262, %add3A_443 : i32
        %dma_start3A_445 = arith.constant 0 : i32
        %dma_start3A_446 = arith.constant 0 : i32
        %dma_start3A_447 = arith.constant 0 : i32
        %dma_start3A_448 = arith.constant 0 : i32
        %dma_start3A_449 = tpu.memref_slice %arg6[%dma_start3A_445, %dma_start3A_447, %dma_start3A_448] : memref<2x128x64xf32, #tpu.memory_space<vmem>> -> memref<1x128x64xf32, #tpu.memory_space<vmem>>
        %dma_start3A_450 = tpu.memref_squeeze %dma_start3A_449 : memref<1x128x64xf32, #tpu.memory_space<vmem>> -> memref<128x64xf32, #tpu.memory_space<vmem>>
        %dma_start3A_451 = arith.constant 0 : i32
        %dma_start3A_452 = tpu.memref_slice %arg5[%add3A_444, %dma_start3A_451] : memref<200x128xi32, #tpu.memory_space<vmem>> -> memref<1x128xi32, #tpu.memory_space<vmem>>
        %dma_start3A_453 = tpu.memref_squeeze %dma_start3A_452 : memref<1x128xi32, #tpu.memory_space<vmem>> -> memref<128xi32, #tpu.memory_space<vmem>>
        %dma_start3A_454 = arith.constant 0 : i32
        %dma_start3A_455 = arith.constant 0 : i32
        %dma_start3A_456 = tpu.memref_slice %arg3[%dma_start3A_454, %dma_start3A_455] : memref<1000000x64xf32, #tpu.memory_space<hbm>> -> memref<1000000x64xf32, #tpu.memory_space<hbm>>
        %dma_start3A_457 = tpu.memref_slice %arg8[%dma_start3A_446] : memref<2x!tpu.dma_semaphore, #tpu.memory_space<semaphore_mem>> -> memref<1x!tpu.dma_semaphore, #tpu.memory_space<semaphore_mem>>
        %dma_start3A_458 = tpu.memref_squeeze %dma_start3A_457 : memref<1x!tpu.dma_semaphore, #tpu.memory_space<semaphore_mem>> -> memref<!tpu.dma_semaphore, #tpu.memory_space<semaphore_mem>>
        tpu.enqueue_indirect_dma source(%dma_start3A_456 : memref<1000000x64xf32, #tpu.memory_space<hbm>>) target(%dma_start3A_450 : memref<128x64xf32, #tpu.memory_space<vmem>>) offsets(%dma_start3A_453 : memref<128xi32, #tpu.memory_space<vmem>>) semaphore(%dma_start3A_458 : memref<!tpu.dma_semaphore, #tpu.memory_space<semaphore_mem>>)
      } else {
      }
      %mul3A_349 = arith.constant 2 : i32
      %mul3A_350 = arith.muli %mul3A_349, %scan3A_258 : i32
      %add3A_351 = arith.constant 1 : i32
      %add3A_352 = arith.addi %mul3A_350, %add3A_351 : i32
      %dma_wait3A_353 = arith.constant 1 : i32
      %dma_wait3A_354 = arith.constant 1 : i32
      %dma_wait3A_355 = arith.constant 0 : i32
      %dma_wait3A_356 = arith.constant 0 : i32
      %dma_wait3A_357 = tpu.memref_slice %arg6[%dma_wait3A_353, %dma_wait3A_355, %dma_wait3A_356] : memref<2x128x64xf32, #tpu.memory_space<vmem>> -> memref<1x128x64xf32, #tpu.memory_space<vmem>>
      %dma_wait3A_358 = tpu.memref_squeeze %dma_wait3A_357 : memref<1x128x64xf32, #tpu.memory_space<vmem>> -> memref<128x64xf32, #tpu.memory_space<vmem>>
      %dma_wait3A_359 = arith.constant 0 : i32
      %dma_wait3A_360 = tpu.memref_slice %arg5[%add3A_352, %dma_wait3A_359] : memref<200x128xi32, #tpu.memory_space<vmem>> -> memref<1x128xi32, #tpu.memory_space<vmem>>
      %dma_wait3A_361 = tpu.memref_squeeze %dma_wait3A_360 : memref<1x128xi32, #tpu.memory_space<vmem>> -> memref<128xi32, #tpu.memory_space<vmem>>
      %dma_wait3A_362 = arith.constant 0 : i32
      %dma_wait3A_363 = arith.constant 0 : i32
      %dma_wait3A_364 = tpu.memref_slice %arg3[%dma_wait3A_362, %dma_wait3A_363] : memref<1000000x64xf32, #tpu.memory_space<hbm>> -> memref<1000000x64xf32, #tpu.memory_space<hbm>>
      %dma_wait3A_365 = tpu.memref_slice %arg8[%dma_wait3A_354] : memref<2x!tpu.dma_semaphore, #tpu.memory_space<semaphore_mem>> -> memref<1x!tpu.dma_semaphore, #tpu.memory_space<semaphore_mem>>
      %dma_wait3A_366 = tpu.memref_squeeze %dma_wait3A_365 : memref<1x!tpu.dma_semaphore, #tpu.memory_space<semaphore_mem>> -> memref<!tpu.dma_semaphore, #tpu.memory_space<semaphore_mem>>
      tpu.wait_indirect_dma semaphore(%dma_wait3A_366 : memref<!tpu.dma_semaphore, #tpu.memory_space<semaphore_mem>>) src(%dma_wait3A_364 : memref<1000000x64xf32, #tpu.memory_space<hbm>>) dst(%dma_wait3A_358 : memref<128x64xf32, #tpu.memory_space<vmem>>)
      %sub3A_367 = arith.constant 2 : i32
      %sub3A_368 = arith.subi %add3A_352, %sub3A_367 : i32
      %mul3A_369 = arith.constant 200 : i32
      %mul3A_370 = arith.muli %add3A, %mul3A_369 : i32
      %add3A_371 = arith.addi %mul3A_370, %sub3A_368 : i32
      %shift_right_arithmetic3A_372 = arith.constant 5 : i32
      %shift_right_arithmetic3A_373 = arith.shrsi %add3A_371, %shift_right_arithmetic3A_372 : i32
      %and3A_374 = arith.constant 31 : i32
      %and3A_375 = arith.andi %add3A_371, %and3A_374 : i32
      %dma_wait3A_376 = arith.constant 1 : i32
      %dma_wait3A_377 = arith.constant 1 : i32
      %dma_wait3A_378 = arith.constant 0 : i32
      %dma_wait3A_379 = arith.constant 0 : i32
      %dma_wait3A_380 = arith.constant 0 : i32
      %dma_wait3A_381 = tpu.memref_slice %arg7[%dma_wait3A_376, %dma_wait3A_378, %dma_wait3A_379, %dma_wait3A_380] : memref<2x8x8x129xf32, #tpu.memory_space<vmem>> -> memref<1x8x8x128xf32, #tpu.memory_space<vmem>>
      %dma_wait3A_382 = tpu.memref_squeeze %dma_wait3A_381 : memref<1x8x8x128xf32, #tpu.memory_space<vmem>> -> memref<8x8x128xf32, #tpu.memory_space<vmem>>
      %dma_wait3A_383 = arith.constant 0 : i32
      %dma_wait3A_384 = arith.constant 0 : i32
      %dma_wait3A_385 = arith.constant 0 : i32
      %dma_wait3A_386 = tpu.memref_slice %arg4[%shift_right_arithmetic3A_373, %dma_wait3A_383, %and3A_375, %dma_wait3A_384, %dma_wait3A_385] : memref<200x8x32x8x128xf32, #tpu.memory_space<hbm>> -> memref<1x8x1x8x128xf32, #tpu.memory_space<hbm>>
      %dma_wait3A_387 = tpu.memref_squeeze %dma_wait3A_386 : memref<1x8x1x8x128xf32, #tpu.memory_space<hbm>> -> memref<8x8x128xf32, #tpu.memory_space<hbm>>
      %dma_wait3A_388 = tpu.memref_slice %arg9[%dma_wait3A_377] : memref<2x!tpu.dma_semaphore, #tpu.memory_space<semaphore_mem>> -> memref<1x!tpu.dma_semaphore, #tpu.memory_space<semaphore_mem>>
      %dma_wait3A_389 = tpu.memref_squeeze %dma_wait3A_388 : memref<1x!tpu.dma_semaphore, #tpu.memory_space<semaphore_mem>> -> memref<!tpu.dma_semaphore, #tpu.memory_space<semaphore_mem>>
      %dma_wait3A_390 = arith.constant 0 : i32
      %dma_wait3A_391 = arith.constant 0 : i32
      %dma_wait3A_392 = arith.constant 0 : i32
      %dma_wait3A_393 = tpu.memref_slice %arg4[%shift_right_arithmetic3A_373, %dma_wait3A_390, %and3A_375, %dma_wait3A_391, %dma_wait3A_392] : memref<200x8x32x8x128xf32, #tpu.memory_space<hbm>> -> memref<1x8x1x8x128xf32, #tpu.memory_space<hbm>>
      %dma_wait3A_394 = tpu.memref_squeeze %dma_wait3A_393 : memref<1x8x1x8x128xf32, #tpu.memory_space<hbm>> -> memref<8x8x128xf32, #tpu.memory_space<hbm>>
      %dma_wait3A_395 = arith.constant 0 : i32
      %dma_wait3A_396 = arith.constant 0 : i32
      %dma_wait3A_397 = arith.constant 0 : i32
      %dma_wait3A_398 = tpu.memref_slice %arg7[%dma_wait3A_376, %dma_wait3A_395, %dma_wait3A_396, %dma_wait3A_397] : memref<2x8x8x129xf32, #tpu.memory_space<vmem>> -> memref<1x8x8x128xf32, #tpu.memory_space<vmem>>
      %dma_wait3A_399 = tpu.memref_squeeze %dma_wait3A_398 : memref<1x8x8x128xf32, #tpu.memory_space<vmem>> -> memref<8x8x128xf32, #tpu.memory_space<vmem>>
      tpu.wait_dma2 semaphore(%dma_wait3A_389 : memref<!tpu.dma_semaphore, #tpu.memory_space<semaphore_mem>>) src(%dma_wait3A_399 : memref<8x8x128xf32, #tpu.memory_space<vmem>>) dst(%dma_wait3A_394 : memref<8x8x128xf32, #tpu.memory_space<hbm>>)
      %parallel_loop3A_400 = arith.constant 0 : i32
      %parallel_loop3A_401 = arith.constant 128 : i32
      %parallel_loop3A_402 = arith.constant 1 : i32
      %parallel_loop3A_403 = arith.constant 1 : i32
      %parallel_loop3A_404 = arith.constant 1 : i32
      scf.for %parallel_loop3A_443 = %parallel_loop3A_400 to %parallel_loop3A_401 step %parallel_loop3A_402  : i32 {
        %parallel_loop3A_444 = vector.broadcast %parallel_loop3A_443 : i32 to vector<16xi32>
        %parallel_loop3A_445 = arith.constant 0 : i32
        %parallel_loop3A_446 = arith.constant 0 : i32
        %parallel_loop3A_447 = tpu.memref_slice %arg6[%parallel_loop3A_403, %parallel_loop3A_445, %parallel_loop3A_446] : memref<2x128x64xf32, #tpu.memory_space<vmem>> -> memref<1x128x64xf32, #tpu.memory_space<vmem>>
        %parallel_loop3A_448 = tpu.memref_squeeze %parallel_loop3A_447 : memref<1x128x64xf32, #tpu.memory_space<vmem>> -> memref<128x64xf32, #tpu.memory_space<vmem>>
        %parallel_loop3A_449 = arith.index_cast %parallel_loop3A_443 : i32 to index
        %parallel_loop3A_450 = arith.constant 0 : index
        %parallel_loop3A_451 = tpu.vector_load %parallel_loop3A_448[%parallel_loop3A_449, %parallel_loop3A_450] {strides = array<i32>} : memref<128x64xf32, #tpu.memory_space<vmem>>, vector<16xf32>,
        %parallel_loop3A_452 = arith.constant 8.000000e+00 : f32
        %parallel_loop3A_453 = vector.broadcast %parallel_loop3A_452 : f32 to vector<16xf32>
        %parallel_loop3A_454 = arith.mulf %parallel_loop3A_451, %parallel_loop3A_453 : vector<16xf32>
        %parallel_loop3A_455 = arith.constant 0 : i32
        %parallel_loop3A_456 = arith.constant 0 : i32
        %parallel_loop3A_457 = arith.constant 0 : i32
        %parallel_loop3A_458 = tpu.memref_slice %arg7[%parallel_loop3A_404, %parallel_loop3A_455, %parallel_loop3A_456, %parallel_loop3A_457] : memref<2x8x8x129xf32, #tpu.memory_space<vmem>> -> memref<1x8x8x129xf32, #tpu.memory_space<vmem>>
        %parallel_loop3A_459 = tpu.memref_squeeze %parallel_loop3A_458 : memref<1x8x8x129xf32, #tpu.memory_space<vmem>> -> memref<8x8x129xf32, #tpu.memory_space<vmem>>
        tpu.vector_store_idx %parallel_loop3A_459[%add3A_5, %and3A_25, %parallel_loop3A_444], %parallel_loop3A_454 : memref<8x8x129xf32, #tpu.memory_space<vmem>>[vector<16xi32>, vector<16xi32>, vector<16xi32>], vector<16xf32>,
        %parallel_loop3A_460 = arith.constant 0 : i32
        %parallel_loop3A_461 = arith.constant 0 : i32
        %parallel_loop3A_462 = tpu.memref_slice %arg6[%parallel_loop3A_403, %parallel_loop3A_460, %parallel_loop3A_461] : memref<2x128x64xf32, #tpu.memory_space<vmem>> -> memref<1x128x64xf32, #tpu.memory_space<vmem>>
        %parallel_loop3A_463 = tpu.memref_squeeze %parallel_loop3A_462 : memref<1x128x64xf32, #tpu.memory_space<vmem>> -> memref<128x64xf32, #tpu.memory_space<vmem>>
        %parallel_loop3A_464 = arith.index_cast %parallel_loop3A_443 : i32 to index
        %parallel_loop3A_465 = arith.constant 16 : index
        %parallel_loop3A_466 = tpu.vector_load %parallel_loop3A_463[%parallel_loop3A_464, %parallel_loop3A_465] {strides = array<i32>} : memref<128x64xf32, #tpu.memory_space<vmem>>, vector<16xf32>,
        %parallel_loop3A_467 = arith.constant 8.000000e+00 : f32
        %parallel_loop3A_468 = vector.broadcast %parallel_loop3A_467 : f32 to vector<16xf32>
        %parallel_loop3A_469 = arith.mulf %parallel_loop3A_466, %parallel_loop3A_468 : vector<16xf32>
        %parallel_loop3A_470 = arith.constant 0 : i32
        %parallel_loop3A_471 = arith.constant 0 : i32
        %parallel_loop3A_472 = arith.constant 0 : i32
        %parallel_loop3A_473 = tpu.memref_slice %arg7[%parallel_loop3A_404, %parallel_loop3A_470, %parallel_loop3A_471, %parallel_loop3A_472] : memref<2x8x8x129xf32, #tpu.memory_space<vmem>> -> memref<1x8x8x129xf32, #tpu.memory_space<vmem>>
        %parallel_loop3A_474 = tpu.memref_squeeze %parallel_loop3A_473 : memref<1x8x8x129xf32, #tpu.memory_space<vmem>> -> memref<8x8x129xf32, #tpu.memory_space<vmem>>
        tpu.vector_store_idx %parallel_loop3A_474[%add3A_11, %and3A_25, %parallel_loop3A_444], %parallel_loop3A_469 : memref<8x8x129xf32, #tpu.memory_space<vmem>>[vector<16xi32>, vector<16xi32>, vector<16xi32>], vector<16xf32>,
        %parallel_loop3A_475 = arith.constant 0 : i32
        %parallel_loop3A_476 = arith.constant 0 : i32
        %parallel_loop3A_477 = tpu.memref_slice %arg6[%parallel_loop3A_403, %parallel_loop3A_475, %parallel_loop3A_476] : memref<2x128x64xf32, #tpu.memory_space<vmem>> -> memref<1x128x64xf32, #tpu.memory_space<vmem>>
        %parallel_loop3A_478 = tpu.memref_squeeze %parallel_loop3A_477 : memref<1x128x64xf32, #tpu.memory_space<vmem>> -> memref<128x64xf32, #tpu.memory_space<vmem>>
        %parallel_loop3A_479 = arith.index_cast %parallel_loop3A_443 : i32 to index
        %parallel_loop3A_480 = arith.constant 32 : index
        %parallel_loop3A_481 = tpu.vector_load %parallel_loop3A_478[%parallel_loop3A_479, %parallel_loop3A_480] {strides = array<i32>} : memref<128x64xf32, #tpu.memory_space<vmem>>, vector<16xf32>,
        %parallel_loop3A_482 = arith.constant 8.000000e+00 : f32
        %parallel_loop3A_483 = vector.broadcast %parallel_loop3A_482 : f32 to vector<16xf32>
        %parallel_loop3A_484 = arith.mulf %parallel_loop3A_481, %parallel_loop3A_483 : vector<16xf32>
        %parallel_loop3A_485 = arith.constant 0 : i32
        %parallel_loop3A_486 = arith.constant 0 : i32
        %parallel_loop3A_487 = arith.constant 0 : i32
        %parallel_loop3A_488 = tpu.memref_slice %arg7[%parallel_loop3A_404, %parallel_loop3A_485, %parallel_loop3A_486, %parallel_loop3A_487] : memref<2x8x8x129xf32, #tpu.memory_space<vmem>> -> memref<1x8x8x129xf32, #tpu.memory_space<vmem>>
        %parallel_loop3A_489 = tpu.memref_squeeze %parallel_loop3A_488 : memref<1x8x8x129xf32, #tpu.memory_space<vmem>> -> memref<8x8x129xf32, #tpu.memory_space<vmem>>
        tpu.vector_store_idx %parallel_loop3A_489[%add3A_17, %and3A_25, %parallel_loop3A_444], %parallel_loop3A_484 : memref<8x8x129xf32, #tpu.memory_space<vmem>>[vector<16xi32>, vector<16xi32>, vector<16xi32>], vector<16xf32>,
        %parallel_loop3A_490 = arith.constant 0 : i32
        %parallel_loop3A_491 = arith.constant 0 : i32
        %parallel_loop3A_492 = tpu.memref_slice %arg6[%parallel_loop3A_403, %parallel_loop3A_490, %parallel_loop3A_491] : memref<2x128x64xf32, #tpu.memory_space<vmem>> -> memref<1x128x64xf32, #tpu.memory_space<vmem>>
        %parallel_loop3A_493 = tpu.memref_squeeze %parallel_loop3A_492 : memref<1x128x64xf32, #tpu.memory_space<vmem>> -> memref<128x64xf32, #tpu.memory_space<vmem>>
        %parallel_loop3A_494 = arith.index_cast %parallel_loop3A_443 : i32 to index
        %parallel_loop3A_495 = arith.constant 48 : index
        %parallel_loop3A_496 = tpu.vector_load %parallel_loop3A_493[%parallel_loop3A_494, %parallel_loop3A_495] {strides = array<i32>} : memref<128x64xf32, #tpu.memory_space<vmem>>, vector<16xf32>,
        %parallel_loop3A_497 = arith.constant 8.000000e+00 : f32
        %parallel_loop3A_498 = vector.broadcast %parallel_loop3A_497 : f32 to vector<16xf32>
        %parallel_loop3A_499 = arith.mulf %parallel_loop3A_496, %parallel_loop3A_498 : vector<16xf32>
        %parallel_loop3A_500 = arith.constant 0 : i32
        %parallel_loop3A_501 = arith.constant 0 : i32
        %parallel_loop3A_502 = arith.constant 0 : i32
        %parallel_loop3A_503 = tpu.memref_slice %arg7[%parallel_loop3A_404, %parallel_loop3A_500, %parallel_loop3A_501, %parallel_loop3A_502] : memref<2x8x8x129xf32, #tpu.memory_space<vmem>> -> memref<1x8x8x129xf32, #tpu.memory_space<vmem>>
        %parallel_loop3A_504 = tpu.memref_squeeze %parallel_loop3A_503 : memref<1x8x8x129xf32, #tpu.memory_space<vmem>> -> memref<8x8x129xf32, #tpu.memory_space<vmem>>
        tpu.vector_store_idx %parallel_loop3A_504[%add3A_23, %and3A_25, %parallel_loop3A_444], %parallel_loop3A_499 : memref<8x8x129xf32, #tpu.memory_space<vmem>>[vector<16xi32>, vector<16xi32>, vector<16xi32>], vector<16xf32>,
      } {sc.loop_unroll_factor = 4 : i64, sc.parallel_access}
      %mul3A_405 = arith.constant 200 : i32
      %mul3A_406 = arith.muli %add3A, %mul3A_405 : i32
      %add3A_407 = arith.addi %mul3A_406, %add3A_352 : i32
      %shift_right_arithmetic3A_408 = arith.constant 5 : i32
      %shift_right_arithmetic3A_409 = arith.shrsi %add3A_407, %shift_right_arithmetic3A_408 : i32
      %and3A_410 = arith.constant 31 : i32
      %and3A_411 = arith.andi %add3A_407, %and3A_410 : i32
      %dma_start3A_412 = arith.constant 1 : i32
      %dma_start3A_413 = arith.constant 1 : i32
      %dma_start3A_414 = arith.constant 0 : i32
      %dma_start3A_415 = arith.constant 0 : i32
      %dma_start3A_416 = arith.constant 0 : i32
      %dma_start3A_417 = tpu.memref_slice %arg7[%dma_start3A_412, %dma_start3A_414, %dma_start3A_415, %dma_start3A_416] : memref<2x8x8x129xf32, #tpu.memory_space<vmem>> -> memref<1x8x8x128xf32, #tpu.memory_space<vmem>>
      %dma_start3A_418 = tpu.memref_squeeze %dma_start3A_417 : memref<1x8x8x128xf32, #tpu.memory_space<vmem>> -> memref<8x8x128xf32, #tpu.memory_space<vmem>>
      %dma_start3A_419 = arith.constant 0 : i32
      %dma_start3A_420 = arith.constant 0 : i32
      %dma_start3A_421 = arith.constant 0 : i32
      %dma_start3A_422 = tpu.memref_slice %arg4[%shift_right_arithmetic3A_409, %dma_start3A_419, %and3A_411, %dma_start3A_420, %dma_start3A_421] : memref<200x8x32x8x128xf32, #tpu.memory_space<hbm>> -> memref<1x8x1x8x128xf32, #tpu.memory_space<hbm>>
      %dma_start3A_423 = tpu.memref_squeeze %dma_start3A_422 : memref<1x8x1x8x128xf32, #tpu.memory_space<hbm>> -> memref<8x8x128xf32, #tpu.memory_space<hbm>>
      %dma_start3A_424 = tpu.memref_slice %arg9[%dma_start3A_413] : memref<2x!tpu.dma_semaphore, #tpu.memory_space<semaphore_mem>> -> memref<1x!tpu.dma_semaphore, #tpu.memory_space<semaphore_mem>>
      %dma_start3A_425 = tpu.memref_squeeze %dma_start3A_424 : memref<1x!tpu.dma_semaphore, #tpu.memory_space<semaphore_mem>> -> memref<!tpu.dma_semaphore, #tpu.memory_space<semaphore_mem>>
      %dma_start3A_426 = arith.constant 0 : i32
      %dma_start3A_427 = arith.constant 0 : i32
      %dma_start3A_428 = arith.constant 0 : i32
      %dma_start3A_429 = tpu.memref_slice %arg4[%shift_right_arithmetic3A_409, %dma_start3A_426, %and3A_411, %dma_start3A_427, %dma_start3A_428] : memref<200x8x32x8x128xf32, #tpu.memory_space<hbm>> -> memref<1x8x1x8x128xf32, #tpu.memory_space<hbm>>
      %dma_start3A_430 = tpu.memref_squeeze %dma_start3A_429 : memref<1x8x1x8x128xf32, #tpu.memory_space<hbm>> -> memref<8x8x128xf32, #tpu.memory_space<hbm>>
      %dma_start3A_431 = arith.constant 0 : i32
      %dma_start3A_432 = arith.constant 0 : i32
      %dma_start3A_433 = arith.constant 0 : i32
      %dma_start3A_434 = tpu.memref_slice %arg7[%dma_start3A_412, %dma_start3A_431, %dma_start3A_432, %dma_start3A_433] : memref<2x8x8x129xf32, #tpu.memory_space<vmem>> -> memref<1x8x8x128xf32, #tpu.memory_space<vmem>>
      %dma_start3A_435 = tpu.memref_squeeze %dma_start3A_434 : memref<1x8x8x128xf32, #tpu.memory_space<vmem>> -> memref<8x8x128xf32, #tpu.memory_space<vmem>>
      tpu.enqueue_dma source(%dma_start3A_435 : memref<8x8x128xf32, #tpu.memory_space<vmem>>) target(%dma_start3A_430 : memref<8x8x128xf32, #tpu.memory_space<hbm>>) target_semaphore(%dma_start3A_425 : memref<!tpu.dma_semaphore, #tpu.memory_space<semaphore_mem>>)
      %add3A_436 = arith.constant 2 : i32
      %add3A_437 = arith.addi %add3A_352, %add3A_436 : i32
      %lt3A_438 = arith.constant 200 : i32
      %lt3A_439 = arith.cmpi slt, %add3A_437, %lt3A_438 : i32
      %convert_element_type3A_440 = arith.extui %lt3A_439 : i1 to i32
      %cond3A_441 = arith.constant 0 : i32
      %cond3A_442 = arith.cmpi ne, %convert_element_type3A_440, %cond3A_441 : i32
      scf.if %cond3A_442 {
        %add3A_443 = arith.constant 2 : i32
        %add3A_444 = arith.addi %add3A_352, %add3A_443 : i32
        %dma_start3A_445 = arith.constant 1 : i32
        %dma_start3A_446 = arith.constant 1 : i32
        %dma_start3A_447 = arith.constant 0 : i32
        %dma_start3A_448 = arith.constant 0 : i32
        %dma_start3A_449 = tpu.memref_slice %arg6[%dma_start3A_445, %dma_start3A_447, %dma_start3A_448] : memref<2x128x64xf32, #tpu.memory_space<vmem>> -> memref<1x128x64xf32, #tpu.memory_space<vmem>>
        %dma_start3A_450 = tpu.memref_squeeze %dma_start3A_449 : memref<1x128x64xf32, #tpu.memory_space<vmem>> -> memref<128x64xf32, #tpu.memory_space<vmem>>
        %dma_start3A_451 = arith.constant 0 : i32
        %dma_start3A_452 = tpu.memref_slice %arg5[%add3A_444, %dma_start3A_451] : memref<200x128xi32, #tpu.memory_space<vmem>> -> memref<1x128xi32, #tpu.memory_space<vmem>>
        %dma_start3A_453 = tpu.memref_squeeze %dma_start3A_452 : memref<1x128xi32, #tpu.memory_space<vmem>> -> memref<128xi32, #tpu.memory_space<vmem>>
        %dma_start3A_454 = arith.constant 0 : i32
        %dma_start3A_455 = arith.constant 0 : i32
        %dma_start3A_456 = tpu.memref_slice %arg3[%dma_start3A_454, %dma_start3A_455] : memref<1000000x64xf32, #tpu.memory_space<hbm>> -> memref<1000000x64xf32, #tpu.memory_space<hbm>>
        %dma_start3A_457 = tpu.memref_slice %arg8[%dma_start3A_446] : memref<2x!tpu.dma_semaphore, #tpu.memory_space<semaphore_mem>> -> memref<1x!tpu.dma_semaphore, #tpu.memory_space<semaphore_mem>>
        %dma_start3A_458 = tpu.memref_squeeze %dma_start3A_457 : memref<1x!tpu.dma_semaphore, #tpu.memory_space<semaphore_mem>> -> memref<!tpu.dma_semaphore, #tpu.memory_space<semaphore_mem>>
        tpu.enqueue_indirect_dma source(%dma_start3A_456 : memref<1000000x64xf32, #tpu.memory_space<hbm>>) target(%dma_start3A_450 : memref<128x64xf32, #tpu.memory_space<vmem>>) offsets(%dma_start3A_453 : memref<128xi32, #tpu.memory_space<vmem>>) semaphore(%dma_start3A_458 : memref<!tpu.dma_semaphore, #tpu.memory_space<semaphore_mem>>)
      } else {
      }
    }
    %scan3A_193 = arith.constant 99 : i32
    %mul3A_194 = arith.constant 200 : i32
    %mul3A_195 = arith.muli %add3A, %mul3A_194 : i32
    %add3A_196 = arith.constant 198 : i32
    %add3A_197 = arith.addi %mul3A_195, %add3A_196 : i32
    %shift_right_arithmetic3A_198 = arith.constant 5 : i32
    %shift_right_arithmetic3A_199 = arith.shrsi %add3A_197, %shift_right_arithmetic3A_198 : i32
    %and3A_200 = arith.constant 31 : i32
    %and3A_201 = arith.andi %add3A_197, %and3A_200 : i32
    %dma_wait3A_202 = arith.constant 0 : i32
    %dma_wait3A_203 = arith.constant 0 : i32
    %dma_wait3A_204 = arith.constant 0 : i32
    %dma_wait3A_205 = arith.constant 0 : i32
    %dma_wait3A_206 = arith.constant 0 : i32
    %dma_wait3A_207 = tpu.memref_slice %arg7[%dma_wait3A_202, %dma_wait3A_204, %dma_wait3A_205, %dma_wait3A_206] : memref<2x8x8x129xf32, #tpu.memory_space<vmem>> -> memref<1x8x8x128xf32, #tpu.memory_space<vmem>>
    %dma_wait3A_208 = tpu.memref_squeeze %dma_wait3A_207 : memref<1x8x8x128xf32, #tpu.memory_space<vmem>> -> memref<8x8x128xf32, #tpu.memory_space<vmem>>
    %dma_wait3A_209 = arith.constant 0 : i32
    %dma_wait3A_210 = arith.constant 0 : i32
    %dma_wait3A_211 = arith.constant 0 : i32
    %dma_wait3A_212 = tpu.memref_slice %arg4[%shift_right_arithmetic3A_199, %dma_wait3A_209, %and3A_201, %dma_wait3A_210, %dma_wait3A_211] : memref<200x8x32x8x128xf32, #tpu.memory_space<hbm>> -> memref<1x8x1x8x128xf32, #tpu.memory_space<hbm>>
    %dma_wait3A_213 = tpu.memref_squeeze %dma_wait3A_212 : memref<1x8x1x8x128xf32, #tpu.memory_space<hbm>> -> memref<8x8x128xf32, #tpu.memory_space<hbm>>
    %dma_wait3A_214 = tpu.memref_slice %arg9[%dma_wait3A_203] : memref<2x!tpu.dma_semaphore, #tpu.memory_space<semaphore_mem>> -> memref<1x!tpu.dma_semaphore, #tpu.memory_space<semaphore_mem>>
    %dma_wait3A_215 = tpu.memref_squeeze %dma_wait3A_214 : memref<1x!tpu.dma_semaphore, #tpu.memory_space<semaphore_mem>> -> memref<!tpu.dma_semaphore, #tpu.memory_space<semaphore_mem>>
    %dma_wait3A_216 = arith.constant 0 : i32
    %dma_wait3A_217 = arith.constant 0 : i32
    %dma_wait3A_218 = arith.constant 0 : i32
    %dma_wait3A_219 = tpu.memref_slice %arg4[%shift_right_arithmetic3A_199, %dma_wait3A_216, %and3A_201, %dma_wait3A_217, %dma_wait3A_218] : memref<200x8x32x8x128xf32, #tpu.memory_space<hbm>> -> memref<1x8x1x8x128xf32, #tpu.memory_space<hbm>>
    %dma_wait3A_220 = tpu.memref_squeeze %dma_wait3A_219 : memref<1x8x1x8x128xf32, #tpu.memory_space<hbm>> -> memref<8x8x128xf32, #tpu.memory_space<hbm>>
    %dma_wait3A_221 = arith.constant 0 : i32
    %dma_wait3A_222 = arith.constant 0 : i32
    %dma_wait3A_223 = arith.constant 0 : i32
    %dma_wait3A_224 = tpu.memref_slice %arg7[%dma_wait3A_202, %dma_wait3A_221, %dma_wait3A_222, %dma_wait3A_223] : memref<2x8x8x129xf32, #tpu.memory_space<vmem>> -> memref<1x8x8x128xf32, #tpu.memory_space<vmem>>
    %dma_wait3A_225 = tpu.memref_squeeze %dma_wait3A_224 : memref<1x8x8x128xf32, #tpu.memory_space<vmem>> -> memref<8x8x128xf32, #tpu.memory_space<vmem>>
    tpu.wait_dma2 semaphore(%dma_wait3A_215 : memref<!tpu.dma_semaphore, #tpu.memory_space<semaphore_mem>>) src(%dma_wait3A_225 : memref<8x8x128xf32, #tpu.memory_space<vmem>>) dst(%dma_wait3A_220 : memref<8x8x128xf32, #tpu.memory_space<hbm>>)
    %mul3A_226 = arith.constant 200 : i32
    %mul3A_227 = arith.muli %add3A, %mul3A_226 : i32
    %add3A_228 = arith.constant 199 : i32
    %add3A_229 = arith.addi %mul3A_227, %add3A_228 : i32
    %shift_right_arithmetic3A_230 = arith.constant 5 : i32
    %shift_right_arithmetic3A_231 = arith.shrsi %add3A_229, %shift_right_arithmetic3A_230 : i32
    %and3A_232 = arith.constant 31 : i32
    %and3A_233 = arith.andi %add3A_229, %and3A_232 : i32
    %dma_wait3A_234 = arith.constant 1 : i32
    %dma_wait3A_235 = arith.constant 1 : i32
    %dma_wait3A_236 = arith.constant 0 : i32
    %dma_wait3A_237 = arith.constant 0 : i32
    %dma_wait3A_238 = arith.constant 0 : i32
    %dma_wait3A_239 = tpu.memref_slice %arg7[%dma_wait3A_234, %dma_wait3A_236, %dma_wait3A_237, %dma_wait3A_238] : memref<2x8x8x129xf32, #tpu.memory_space<vmem>> -> memref<1x8x8x128xf32, #tpu.memory_space<vmem>>
    %dma_wait3A_240 = tpu.memref_squeeze %dma_wait3A_239 : memref<1x8x8x128xf32, #tpu.memory_space<vmem>> -> memref<8x8x128xf32, #tpu.memory_space<vmem>>
    %dma_wait3A_241 = arith.constant 0 : i32
    %dma_wait3A_242 = arith.constant 0 : i32
    %dma_wait3A_243 = arith.constant 0 : i32
    %dma_wait3A_244 = tpu.memref_slice %arg4[%shift_right_arithmetic3A_231, %dma_wait3A_241, %and3A_233, %dma_wait3A_242, %dma_wait3A_243] : memref<200x8x32x8x128xf32, #tpu.memory_space<hbm>> -> memref<1x8x1x8x128xf32, #tpu.memory_space<hbm>>
    %dma_wait3A_245 = tpu.memref_squeeze %dma_wait3A_244 : memref<1x8x1x8x128xf32, #tpu.memory_space<hbm>> -> memref<8x8x128xf32, #tpu.memory_space<hbm>>
    %dma_wait3A_246 = tpu.memref_slice %arg9[%dma_wait3A_235] : memref<2x!tpu.dma_semaphore, #tpu.memory_space<semaphore_mem>> -> memref<1x!tpu.dma_semaphore, #tpu.memory_space<semaphore_mem>>
    %dma_wait3A_247 = tpu.memref_squeeze %dma_wait3A_246 : memref<1x!tpu.dma_semaphore, #tpu.memory_space<semaphore_mem>> -> memref<!tpu.dma_semaphore, #tpu.memory_space<semaphore_mem>>
    %dma_wait3A_248 = arith.constant 0 : i32
    %dma_wait3A_249 = arith.constant 0 : i32
    %dma_wait3A_250 = arith.constant 0 : i32
    %dma_wait3A_251 = tpu.memref_slice %arg4[%shift_right_arithmetic3A_231, %dma_wait3A_248, %and3A_233, %dma_wait3A_249, %dma_wait3A_250] : memref<200x8x32x8x128xf32, #tpu.memory_space<hbm>> -> memref<1x8x1x8x128xf32, #tpu.memory_space<hbm>>
    %dma_wait3A_252 = tpu.memref_squeeze %dma_wait3A_251 : memref<1x8x1x8x128xf32, #tpu.memory_space<hbm>> -> memref<8x8x128xf32, #tpu.memory_space<hbm>>
    %dma_wait3A_253 = arith.constant 0 : i32
    %dma_wait3A_254 = arith.constant 0 : i32
    %dma_wait3A_255 = arith.constant 0 : i32
    %dma_wait3A_256 = tpu.memref_slice %arg7[%dma_wait3A_234, %dma_wait3A_253, %dma_wait3A_254, %dma_wait3A_255] : memref<2x8x8x129xf32, #tpu.memory_space<vmem>> -> memref<1x8x8x128xf32, #tpu.memory_space<vmem>>
    %dma_wait3A_257 = tpu.memref_squeeze %dma_wait3A_256 : memref<1x8x8x128xf32, #tpu.memory_space<vmem>> -> memref<8x8x128xf32, #tpu.memory_space<vmem>>
    tpu.wait_dma2 semaphore(%dma_wait3A_247 : memref<!tpu.dma_semaphore, #tpu.memory_space<semaphore_mem>>) src(%dma_wait3A_257 : memref<8x8x128xf32, #tpu.memory_space<vmem>>) dst(%dma_wait3A_252 : memref<8x8x128xf32, #tpu.memory_space<hbm>>)
    return
  }
}

</mosaic_0001>

<sc_bundles>
// kernel: _run.3.cloned.1.call-start
scs
__scs_entry_jumppad:
0x0: {  	(pc) =	sbr.rel $0x88, $3  }
0x1: {  	(tag) =	ssettag $0x0;
	lr =	simm.s32 $0x1  }
0x2: {  	[smem:$0x3F9F] =	sst lr;
	_ =	strace $0xD0000000  }
0x3: {  	_ = 	snop  }
0x4: {  	_ = 	snop  }
0x5: {  	_ = 	snop  }
0x6: {  	_ = 	snop  }
0x7: {  	_ = 	snop  }
__scs_overlays_trampoline_lowered:
0x8: {  	[smem:$0x3FAE] =	sst s0  }
0x9: {  	[smem:$0x3FAF] =	sst s1  }
0xa: {  	[smem:$0x3FB0] =	sst s2  }
0xb: {  	[smem:$0x3FB1] =	sst s3  }
0xc: {  	[smem:$0x3FB2] =	sst s4  }
0xd: {  	[smem:$0x3FB3] =	sst s5  }
0xe: {  	[smem:$0x3FB4] =	sst s6  }
0xf: {  	[smem:$0x3FB5] =	sst s7  }
0x10: {  	[smem:$0x3FB6] =	sst s8  }
0x11: {  	[smem:$0x3FB7] =	sst s9;
	s0 =	simm.s32 @!p0 $0x0  }
0x12: {  	s1 =	sld [smem:$0x3F9D];
	s0 =	simm.s32 @p0 $0x1  }
0x13: {  	[smem:$0x3FB8] =	sst s0;
	s0 =	simm.s32 @!p1 $0x0  }
0x14: {  	s2 =	sld [smem:$0x3F9C];
	s0 =	simm.s32 @p1 $0x1  }
0x15: {  	[smem:$0x3FB9] =	sst s0;
	s0 =	simm.s32 @!p2 $0x0  }
0x16: {  	s3 =	sld [smem:$0x3FDB];
	s0 =	simm.s32 @p2 $0x1  }
0x17: {  	s4 =	simm.s32 $0x1BF5;
	[smem:$0x3FBB] =	sst s0  }
0x18: {  	s0 =	sld [smem:$0x3F9E];
	_ =	swait.ge [sflag:s4], $0x0  }
0x19: {  	s7 =	sld [smem:$0x3F9F]  }
0x1a: {  	s8 =	sadd.s32 $0xFFFFE003, lr  }
0x1b: {  	s9 =	sadd.s32 $0xFFFFFEF7, lr;
	s5 =	simm.s32 $0xFFFFFFFF;
	p2 =	slt.u32 s8, $0xFFFFF086  }
0x1c: {  	p1 =	slt.u32 s9, $0xF7A;
	s5 =	simm.s32 @!p2 $0x0  }
0x1d: {  	s5 =	simm.s32 @p1 $0x1;
	p0 =	seq.s32 s7, s2  }
0x1e: {  	s7 =	smul.u32 @!p0 $0xF7A, s2;
	p2 =	seq.s32 @!p0 s5, $0x0  }
0x1f: {  	s9 =	smul.u32 $0xF7A, s1;
	s8 =	simm.s32 @!p0 $0x1BF5;
	p2 =	por !p2, p0  }
0x20: {  	[sflag:s8] =	ssyncset.s32 @!p0 $0xFFFFF086;
	s6 =	sadd.s32 @!p0 s3, s7;
	s7 =	simm.s32 @!p0 $0x108  }
0x21: {  	s3 =	sadd.s32 s3, s9;
	s6 =	sadd.s32 @!p0 $0x88, s6;
	s7 =	simm.s32 @p2 $0x1082  }
0x22: {  	[simem:s7], [sflag:s8] =	dma.local @!p0 [hbm:s6], $0xF7A  }
0x23: {  	s9 =	sor.u32 $0xD0000000, s2;
	s6 =	simm.s32 $0x108;
	_ =	swait.ge @!p0 [sflag:s8], $0x0  }
0x24: {  	s3 =	sadd.s32 $0x88, s3;
	s6 =	simm.s32 @!p1 $0x1082;
	[sflag:s4] =	ssyncset.s32 $0xFFFFF086  }
0x25: {  	[simem:s6], [sflag:s4] =	dma.local [hbm:s3], $0xF7A  }
0x26: {  	[smem:$0x3F9F] =	sst s1;
	(tag) =	ssettag s2;
	_ =	strace s9  }
0x27: {  	s1 =	sld [smem:$0x3FAF]  }
0x28: {  	s2 =	sld [smem:$0x3FB0]  }
0x29: {  	s4 =	sld [smem:$0x3FB2]  }
0x2a: {  	p0 =	seq.s32 s5, $0x0;
	s5 =	sld [smem:$0x3FB3]  }
0x2b: {  	s6 =	sld [smem:$0x3FB4]  }
0x2c: {  	s7 =	sld [smem:$0x3FB5]  }
0x2d: {  	s3 =	simm.s32 $0x108;
	s8 =	sld [smem:$0x3FB6]  }
0x2e: {  	s3 =	simm.s32 @!p0 $0x1082;
	s9 =	sld [smem:$0x3FB7]  }
0x2f: {  	lr =	sadd.s32 s0, s3;
	s0 =	sld [smem:$0x3FAE]  }
0x30: {  	s3 =	sld [smem:$0x3FB1]  }
0x31: {  	[smem:$0x3FBA] =	sst s10  }
0x32: {  	s10 =	sld [smem:$0x3FB8];
	_ =	sdelay $0x3  }
0x33: {  	p0 =	seq.s32 s10, $0x1;
	s10 =	sld [smem:$0x3FBA];
	_ =	sdelay $0x3  }
0x34: {  	[smem:$0x3FBA] =	sst s10  }
0x35: {  	s10 =	sld [smem:$0x3FB9];
	_ =	sdelay $0x3  }
0x36: {  	p1 =	seq.s32 s10, $0x1;
	s10 =	sld [smem:$0x3FBA];
	_ =	sdelay $0x3  }
0x37: {  	[smem:$0x3FBA] =	sst s10  }
0x38: {  	s10 =	sld [smem:$0x3FBB]  }
0x39: {  	_ = 	snop;
	(pc) =	sbr.ind lr, $3  }
0x3a: {  	_ = 	snop  }
0x3b: {  	_ = 	snop  }
0x3c: {  	p2 =	seq.s32 s10, $0x1;
	s10 =	sld [smem:$0x3FBA]  }
0x3d: {  	_ =	shalt  }
0x3e: {  	_ =	shalt  }
0x3f: {  	_ =	shalt  }
0x40: {  	_ =	shalt  }
0x41: {  	_ =	shalt  }
0x42: {  	_ =	shalt  }
0x43: {  	_ =	shalt  }
0x44: {  	_ =	shalt  }
0x45: {  	_ =	shalt  }
0x46: {  	_ =	shalt  }
0x47: {  	_ =	shalt  }
0x48: {  	_ =	shalt  }
0x49: {  	_ =	shalt  }
0x4a: {  	_ =	shalt  }
0x4b: {  	_ =	shalt  }
0x4c: {  	_ =	shalt  }
0x4d: {  	_ =	shalt  }
0x4e: {  	_ =	shalt  }
0x4f: {  	_ =	shalt  }
0x50: {  	_ =	shalt  }
0x51: {  	_ =	shalt  }
0x52: {  	_ =	shalt  }
0x53: {  	_ =	shalt  }
0x54: {  	_ =	shalt  }
0x55: {  	_ =	shalt  }
0x56: {  	_ =	shalt  }
0x57: {  	_ =	shalt  }
0x58: {  	_ =	shalt  }
0x59: {  	_ =	shalt  }
0x5a: {  	_ =	shalt  }
0x5b: {  	_ =	shalt  }
0x5c: {  	_ =	shalt  }
0x5d: {  	_ =	shalt  }
0x5e: {  	_ =	shalt  }
0x5f: {  	_ =	shalt  }
0x60: {  	_ =	shalt  }
0x61: {  	_ =	shalt  }
0x62: {  	_ =	shalt  }
0x63: {  	_ =	shalt  }
0x64: {  	_ =	shalt  }
0x65: {  	_ =	shalt  }
0x66: {  	_ =	shalt  }
0x67: {  	_ =	shalt  }
0x68: {  	_ =	shalt  }
0x69: {  	_ =	shalt  }
0x6a: {  	_ =	shalt  }
0x6b: {  	_ =	shalt  }
0x6c: {  	_ =	shalt  }
0x6d: {  	_ =	shalt  }
0x6e: {  	_ =	shalt  }
0x6f: {  	_ =	shalt  }
0x70: {  	_ =	shalt  }
0x71: {  	_ =	shalt  }
0x72: {  	_ =	shalt  }
0x73: {  	_ =	shalt  }
0x74: {  	_ =	shalt  }
0x75: {  	_ =	shalt  }
0x76: {  	_ =	shalt  }
0x77: {  	_ =	shalt  }
0x78: {  	_ =	shalt  }
0x79: {  	_ =	shalt  }
0x7a: {  	_ =	shalt  }
0x7b: {  	_ =	shalt  }
0x7c: {  	_ =	shalt  }
0x7d: {  	_ =	shalt  }
0x7e: {  	_ =	shalt  }
0x7f: {  	_ =	shalt  }
0x80: {  	_ =	shalt  }
0x81: {  	_ =	shalt  }
0x82: {  	_ =	shalt  }
0x83: {  	_ =	shalt  }
0x84: {  	_ =	shalt  }
0x85: {  	_ =	shalt  }
0x86: {  	_ =	shalt  }
0x87: {  	_ =	shalt  }
.Lfunc_end0:
.L_simem_size_0:
called_computation_lowered:
.L_overlay_start_0:
0x88: {  	s2 =	sld [smem:$0x3FD9]  }
0x89: {  	s3 =	sld [smem:$0x3FFE];
	_ =	sdelay $0x1  }
0x8a: {  	s1 =	srdreg.scid  }
0x8b: {  	s0 =	sand.u32 $0x1, s1  }
0x8c: {  	s17 =	sshll.u32 s0, $0xA;
	s2 =	sadd.s32 s3, s2  }
0x8d: {  	s2 =	sadd.s32 s2, s17  }
0x8e: {  	[smem:$0x3FC6] =	sst s2  }
0x8f: {  	_ = 	snop  }
0x90: {  	s2 =	sld [smem:$0x3FD0];
	(tm) =	ssettm $0x1  }
0x91: {  	s18 =	sld [smem:$0x3FFB];
	_ =	sdelay $0x3  }
0x92: {  	_ =	strace s18  }
0x93: {  	s3 =	sld [smem:$0x3FFC];
	_ =	sdelay $0x3  }
0x94: {  	_ =	strace s3  }
0x95: {  	s3 =	sld [smem:$0x3FFD];
	_ =	sdelay $0x3  }
0x96: {  	_ =	strace s3  }
0x97: {  	_ =	strace $0x8FFFFFFF  }
0x98: {  	s19 =	sld [smem:$0x3FDB];
	_ =	sdelay $0x1  }
0x99: {  	s4 =	simm.s32 $_scs_section_size  }
0x9a: {  	s5 =	simm.s32 $_size__tile_overlayer_lowered;
	s6 =	simm.s32 $_tile_overlayer_lowered  }
0x9b: {  	s22 =	simm.s32 $0x1BFF;
	s21 =	sshll.u32 s6, $0x1;
	s3 =	sadd.s32 s4, s19  }
0x9c: {  	s7 =	simm.s32 $0x0;
	s20 =	sshll.u32 s5, $0x1;
	s5 =	sadd.s32 s21, s3  }
0x9d: {  	[timem:s7], [sflag:s22] =	dma.local [hbm:s5], s20  }
0x9e: {  	_ =	swait.ge [sflag:s22], s20  }
0x9f: {  	s4 =	ssub.s32 $0x0, s20;
	[sflag:s22] =	ssyncset.done $0x0  }
0xa0: {  	[sflag:s22] =	ssyncadd.s32 s4;
	_ =	sdelay $0x1  }
0xa1: {  	s23 =	simm.s32 $0x1B8B  }
0xa2: {  	_ =	swait.ge [sflag:s23], $0x1  }
0xa3: {  	[sflag:s23] =	ssyncset.done $0x0  }
0xa4: {  	s25 =	simm.s32 $0x1B8E;
	s24 =	sld [smem:$0x3FFE];
	[sflag:s23] =	ssyncadd.s32 $0xFFFFFFFF  }
0xa5: {  	s26 =	simm.s32 $execute0_lowered;
	[smem:$0x3FD2] =	sst s25  }
0xa6: {  	s5 =	sshll.u32 s26, $0x1;
	_ =	strace $0x80000046;
	[dreg:$0x1] =	wrdreg $0xFFFFFFFF  }
0xa7: {  	s28 =	simm.s32 $_size_execute0_lowered;
	s3 =	sadd.s32 s3, s5;
	[dreg:$0x0] =	wrdreg $0x0  }
0xa8: {  	s5 =	sshll.u32 s28, $0x1;
	[dreg:$0x2] =	wrdreg s3  }
0xa9: {  	[dreg:$0x3] =	wrdreg s5  }
0xaa: {  	[dreg:$0x4] =	wrdreg $0xC0  }
0xab: {  	_ =	task [dreg:s7], $0x5FFFF  }
0xac: {  	[dreg:$0x1] =	wrdreg $0xFFFFFFFF  }
0xad: {  	[dreg:$0x0] =	wrdreg $0x60  }
0xae: {  	[dreg:$0x2] =	wrdreg s24  }
0xaf: {  	[dreg:$0x3] =	wrdreg s2  }
0xb0: {  	[dreg:$0x4] =	wrdreg $0x9  }
0xb1: {  	_ =	task.clear_ibuf [dreg:s7], $0x5FFFF;
	_ =	strace $0x90000046  }
0xb2: {  	s29 =	simm.s32 $0x9;
	_ =	strace $0x80000048  }
0xb3: {  	_ =	swait.ge [sflag:s29], $0x1  }
0xb4: {  	[sflag:s29] =	ssyncadd.s32 $0xFFFFFFFF  }
0xb5: {  	_ =	strace $0x90000048  }
0xb6: {  	_ =	sfence  }
0xb7: {  	s30 =	sld [smem:$0x0];
	_ =	sdelay $0x2  }
0xb8: {  	s31 =	sshll.u32 s1, $0xD;
	s1 =	sshrl.u32 s1, $0x2  }
0xb9: {  	s3 =	sand.u32 $0x4000, s31;
	s1 =	sadd.s32 s1, s30  }
0xba: {  	s0 =	sor.u32 s3, s0;
	s1 =	sshll.u32 s1, $0x11  }
0xbb: {  	s0 =	sor.u32 s1, s0  }
0xbc: {  	s0 =	sadd.s32 $0x8F2B, s0  }
0xbd: {  	[sflag:s0] =	ssyncadd.remote.s32 $0x1  }
0xbe: {  	_ =	sfence.sel $0xFFFF  }
0xbf: {  	[dreg:$0x0] =	wrdreg $0xFFFFFFFF;
	(pc) =	sbr.abs _section_cstart, $3  }
0xc0: {  	[dreg:$0x1] =	wrdreg $0xFFFFFFFF  }
0xc1: {  	_ =	task.clear_ibuf [dreg:s7], $0x2FFFF;
	_ =	strace $0x9FFFFFFF  }
0xc2: {  	(tm) =	ssettm $0x7FFFFFFF  }
0xc3: {  	_ =	shalt  }
tec
execute0_lowered:
.L_overlay_start_1:
0x0: {  	(tag) =	ssettag $0x1  }
0x1: {  	s1 =	srdreg.scid;
	s4 =	rddreg [dreg:$0x0]  }
0x2: {  	s0 =	stileid.u32;
	s2 =	rddreg [dreg:$0x1];
	s3 =	simm.s32 $0x0  }
0x3: {  	s10 =	simm.s32 $0x5;
	s11 =	simm.s32 $0x80;
	s12 =	simm.s32 $0x6400  }
0x4: {  	s13 =	simm.s32 $0x8400;
	s14 =	simm.s32 $0x1;
	s15 =	simm.s32 $0xA400  }
0x5: {  	s16 =	simm.s32 $0x100;
	s17 =	simm.s32 $0x2;
	s18 =	simm.s32 $0xC600  }
0x6: {  	s19 =	simm.s32 $0x180;
	s5 =	sand.u32 $0x1, s1;
	s30 =	sshll.u32 s0, $0x1  }
0x7: {  	s20 =	simm.s32 $0x3;
	s21 =	simm.s32 $0x4;
	s6 =	sor.u32 s5, s30  }
0x8: {  	s22 =	simm.s32 $0x0;
	s1 =	rddreg [dreg:$0x2];
	s7 =	smul.u32 $0x190000, s6  }
0x9: {  	[smem:$0x7FF] =	sst s3;
	s8 =	smul.u32 $0xC80, s6;
	s9 =	sshll.u32 s6, $0xD  }
.Ltmp0:
0xa: {  	s5 =	ssub.s32 $0x2, s5;
	s7 =	sor.u32 s9, s7;
	(pc) =	sbr.rel .LBB2_1-.Ltmp0, $4  }
0xb: {  	v0 =	vlaneseq.u32;
	_ =	strace $0x80000047;
	s31 =	sshrl.u32 s5, $0x1;
	s7 =	sand.u32 $0x3FC6000, s7  }
0xc: {  	v0 =	vmul.u32 $0x88, v0;
	s8 =	sadd.s32 s8, s4;
	s4 =	sadd.s32 $0xF42A00, s4;
	s7 =	sshrl.u32 s7, $0x3  }
0xd: {  	s9 =	ssub.s32 s5, s31;
	s5 =	smul.u32 $0xC8, s6;
	s7 =	sadd.s32 s2, s7  }
0xe: {  	v1 =	vadd.s32 $0x880, v0;
	v2 =	vadd.s32 $0x1100, v0;
	v3 =	vadd.s32 $0x1980, v0;
	s6 =	sadd.s32 $0x600, s8;
	s9 =	smax.u32 s9, $0x1;
	s8 =	sadd.s32 $0x80, s7  }
.LBB2_20:
0xf: {  	s22 =	sadd.s32 $0x1, s22  }
0x10: {  	_ =	swait.ge [sflag:s20], $0x2000;
	p0 =	sne.s32 s22, s9  }
.Ltmp1:
0x11: {  	[sflag:s20] =	ssyncset.done $0x0;
	(pc) =	sbr.rel @!p0 .LBB2_21-.Ltmp1, $4  }
0x12: {  	[sflag:s20] =	ssyncadd.s32 $0xFFFFE000  }
0x13: {  	_ =	swait.ge [sflag:s21], $0x2000  }
0x14: {  	[sflag:s21] =	ssyncset.done $0x0  }
0x15: {  	[sflag:s21] =	ssyncadd.s32 $0xFFFFE000  }
.LBB2_1:
0x16: {  	[tilespmem:s3], [sflag:$0x5] =	stream.linear.gather [hbm4b:s6+s3], $0x6400, $0x38;
	[tilespmem:$0xE800] =	vst v63  }
0x17: {  	_ =	swait.ge [sflag:s10], $0x6400  }
0x18: {  	[sflag:s10] =	ssyncset.done $0x0  }
0x19: {  	[sflag:s10] =	ssyncadd.s32 $0xFFFF9C00  }
0x1a: {  	[tilespmem:s12], [sflag:$0x1] =	stream.indirect.gather [hbm4b:s4+s11], $0x40, s3, s11, $0xb8;
	[tilespmem:$0xE800] =	vst v63  }
0x1b: {  	_ = 	snop  }
0x1c: {  	[tilespmem:s13], [sflag:$0x2] =	stream.indirect.gather [hbm4b:s4+s11], $0x40, s11, s11, $0xb8;
	[tilespmem:$0xE800] =	vst v63  }
0x1d: {  	_ =	swait.ge [sflag:s14], $0x2000  }
0x1e: {  	[sflag:s14] =	ssyncset.done $0x0  }
0x1f: {  	s26 =	simm.s32 $0x6480;
	s23 =	simm.s32 $0x3;
	[sflag:s14] =	ssyncadd.s32 $0xFFFFE000  }
0x20: {  	v4 =	vmov s23;
	v5 =	vld [tilespmem:s26+$0x40]  }
0x21: {  	v9 =	vand.u32 $0x7F, v4  }
0x22: {  	v4 =	vadd.s32 v0, v9  }
0x23: {  	v6 =	vmov s3;
	s28 =	simm.s32 $0x1;
	s24 =	simm.s32 $0x2;
	v7 =	vld [tilespmem:s26+$0xFFFFFF80]  }
0x24: {  	v8 =	vand.u32 $0x7C, v6;
	v6 =	vmov s28;
	v11 =	vmov s24;
	v10 =	vld [tilespmem:s26+$0xFFFFFFC0]  }
0x25: {  	v12 =	vadd.s32 v0, v8;
	v15 =	vand.u32 $0x7D, v6;
	v6 =	vld [tilespmem:s26+$0x0];
	v5 =	vmul.f32 $8.000000000e+00, v5  }
0x26: {  	v17 =	vand.u32 $0x7E, v11;
	v13 =	vadd.s32 v0, v15  }
0x27: {  	v11 =	vadd.s32 v0, v17;
	[tilespmem:v4+s15+$0x0] =	vst.idx.msk $0xffff, v5  }
0x28: {  	v4 =	vmul.f32 $8.000000000e+00, v7;
	v5 =	vld [tilespmem:s26+$0x50]  }
0x29: {  	v7 =	vmul.f32 $8.000000000e+00, v10  }
0x2a: {  	[tilespmem:v12+s15+$0x0] =	vst.idx.msk $0xffff, v4;
	v4 =	vmul.f32 $8.000000000e+00, v6;
	v6 =	vadd.s32 v1, v9  }
0x2b: {  	[tilespmem:v13+s15+$0x0] =	vst.idx.msk $0xffff, v7;
	v10 =	vld [tilespmem:s26+$0xFFFFFF90]  }
0x2c: {  	v7 =	vld [tilespmem:s26+$0xFFFFFFD0];
	[tilespmem:v11+s15+$0x0] =	vst.idx.msk $0xffff, v4  }
0x2d: {  	v11 =	vld [tilespmem:s26+$0x10];
	v4 =	vmul.f32 $8.000000000e+00, v5  }
0x2e: {  	s29 =	simm.s32 $0x4;
	s25 =	simm.s32 $0x7;
	s23 =	simm.s32 $0x6580;
	v12 =	vadd.s32 v1, v15  }
0x2f: {  	v14 =	vld [tilespmem:s23+$0x40];
	v13 =	vadd.s32 v1, v17;
	v5 =	vmov s29;
	[tilespmem:v6+s15+$0x0] =	vst.idx.msk $0xffff, v4;
	v6 =	vmov s25  }
0x30: {  	v16 =	vadd.s32 v1, v8;
	v4 =	vand.u32 $0x7C, v5;
	v5 =	vand.u32 $0x7F, v6;
	v18 =	vld [tilespmem:s26+$0x60]  }
0x31: {  	s30 =	simm.s32 $0x5;
	v22 =	vadd.s32 v2, v9;
	v19 =	vld [tilespmem:s23+$0xFFFFFF80];
	v6 =	vmul.f32 $8.000000000e+00, v7;
	v20 =	vadd.s32 v0, v5  }
0x32: {  	s31 =	simm.s32 $0x6;
	v21 =	vld [tilespmem:s23+$0xFFFFFFC0];
	v10 =	vmul.f32 $8.000000000e+00, v10;
	v7 =	vmul.f32 $8.000000000e+00, v11;
	v11 =	vmov s30  }
0x33: {  	v23 =	vadd.s32 v0, v4;
	[tilespmem:v12+s15+$0x0] =	vst.idx.msk $0xffff, v6;
	v12 =	vmov s31;
	v6 =	vand.u32 $0x7D, v11;
	v11 =	vld [tilespmem:s23+$0x0]  }
0x34: {  	[tilespmem:v13+s15+$0x0] =	vst.idx.msk $0xffff, v7;
	v13 =	vadd.s32 v0, v6;
	v7 =	vand.u32 $0x7E, v12;
	v12 =	vmul.f32 $8.000000000e+00, v14;
	v14 =	vld [tilespmem:s26+$0xFFFFFFE0]  }
0x35: {  	[tilespmem:v16+s15+$0x0] =	vst.idx.msk $0xffff, v10;
	v10 =	vadd.s32 v0, v7;
	v16 =	vld [tilespmem:s26+$0x20];
	v18 =	vmul.f32 $8.000000000e+00, v18  }
0x36: {  	v19 =	vmul.f32 $8.000000000e+00, v19;
	[tilespmem:v20+s15+$0x0] =	vst.idx.msk $0xffff, v12;
	v12 =	vld [tilespmem:s26+$0xFFFFFFA0];
	v20 =	vadd.s32 v2, v15  }
0x37: {  	v25 =	vadd.s32 v2, v17;
	v21 =	vmul.f32 $8.000000000e+00, v21;
	v24 =	vld [tilespmem:s23+$0x50];
	[tilespmem:v22+s15+$0x0] =	vst.idx.msk $0xffff, v18  }
0x38: {  	[tilespmem:v23+s15+$0x0] =	vst.idx.msk $0xffff, v19;
	v19 =	vadd.s32 v2, v8;
	v11 =	vmul.f32 $8.000000000e+00, v11;
	v22 =	vld [tilespmem:s26+$0x70]  }
0x39: {  	v23 =	vld [tilespmem:s23+$0xFFFFFF90];
	[tilespmem:v13+s15+$0x0] =	vst.idx.msk $0xffff, v21;
	v21 =	vadd.s32 v1, v5;
	v14 =	vmul.f32 $8.000000000e+00, v14  }
0x3a: {  	v27 =	vadd.s32 v3, v9;
	v26 =	vld [tilespmem:s23+$0xFFFFFFD0];
	[tilespmem:v10+s15+$0x0] =	vst.idx.msk $0xffff, v11;
	v10 =	vmul.f32 $8.000000000e+00, v16  }
0x3b: {  	v18 =	vadd.s32 v1, v4;
	v13 =	vld [tilespmem:s23+$0x10];
	v9 =	vmul.f32 $8.000000000e+00, v12;
	[tilespmem:v20+s15+$0x0] =	vst.idx.msk $0xffff, v14  }
0x3c: {  	s25 =	simm.s32 $0x8;
	v16 =	vadd.s32 v1, v6;
	[tilespmem:v25+s15+$0x0] =	vst.idx.msk $0xffff, v10;
	v14 =	vmul.f32 $8.000000000e+00, v24;
	v12 =	vld [tilespmem:s26+$0xFFFFFFF0]  }
0x3d: {  	v20 =	vmov s25;
	v10 =	vadd.s32 v1, v7;
	v11 =	vld [tilespmem:s26+$0x30];
	[tilespmem:v19+s15+$0x0] =	vst.idx.msk $0xffff, v9;
	v63 =	vmul.f32 $8.000000000e+00, v22  }
0x3e: {  	s28 =	simm.s32 $0xB;
	s24 =	simm.s32 $0x6680;
	v15 =	vadd.s32 v3, v15;
	v9 =	vand.u32 $0x7C, v20;
	v20 =	vmul.f32 $8.000000000e+00, v23;
	[tilespmem:v21+s15+$0x0] =	vst.idx.msk $0xffff, v14;
	v14 =	vld [tilespmem:s26+$0xFFFFFFB0]  }
0x3f: {  	v17 =	vadd.s32 v3, v17;
	v22 =	vmov s28;
	v19 =	vld [tilespmem:s24+$0x40];
	s26 =	simm.s32 $0xC;
	v21 =	vmul.f32 $8.000000000e+00, v26;
	[tilespmem:v27+s15+$0x0] =	vst.idx.msk $0xffff, v63  }
.LBB2_2:
0x40: {  	p0 =	slt.u32 s26, $0x7C;
	s28 =	sadd.s32 $0x1, s25;
	v22 =	vand.u32 $0x7F, v22;
	[tilespmem:v18+s15+$0x0] =	vst.idx.msk $0xffff, v20;
	v13 =	vmul.f32 $8.000000000e+00, v13;
	v18 =	vld [tilespmem:s23+$0x60];
	v20 =	vadd.s32 v3, v8;
	v8 =	vmovc v4  }
0x41: {  	v4 =	vmovc v9;
	v23 =	vld [tilespmem:s24+$0xFFFFFF80];
	v24 =	vmov s28;
	s28 =	sadd.s32 $0x2, s25;
	v25 =	vadd.s32 v0, v22;
	[tilespmem:v16+s15+$0x0] =	vst.idx.msk $0xffff, v21;
	v12 =	vmul.f32 $8.000000000e+00, v12;
	s25 =	smov.u32 s26  }
0x42: {  	v9 =	vld [tilespmem:s24+$0xFFFFFFC0];
	v16 =	vmov s28;
	[tilespmem:v10+s15+$0x0] =	vst.idx.msk $0xffff, v13;
	v10 =	vadd.s32 v2, v5;
	v11 =	vmul.f32 $8.000000000e+00, v11  }
0x43: {  	v13 =	vadd.s32 v0, v4;
	v21 =	vand.u32 $0x7D, v24;
	v24 =	vld [tilespmem:s24+$0x0];
	v14 =	vmul.f32 $8.000000000e+00, v14;
	[tilespmem:v15+s15+$0x0] =	vst.idx.msk $0xffff, v12  }
0x44: {  	v12 =	vadd.s32 v0, v21;
	v26 =	vand.u32 $0x7E, v16;
	v15 =	vmul.f32 $8.000000000e+00, v19;
	v16 =	vld [tilespmem:s23+$0xFFFFFFE0];
	[tilespmem:v17+s15+$0x0] =	vst.idx.msk $0xffff, v11  }
0x45: {  	v11 =	vadd.s32 v0, v26;
	v17 =	vld [tilespmem:s23+$0x20];
	v18 =	vmul.f32 $8.000000000e+00, v18;
	[tilespmem:v20+s15+$0x0] =	vst.idx.msk $0xffff, v14  }
0x46: {  	v19 =	vadd.s32 v2, v6;
	v14 =	vmul.f32 $8.000000000e+00, v23;
	[tilespmem:v25+s15+$0x0] =	vst.idx.msk $0xffff, v15;
	v15 =	vld [tilespmem:s23+$0xFFFFFFA0]  }
0x47: {  	v23 =	vadd.s32 v2, v7;
	v9 =	vmul.f32 $8.000000000e+00, v9;
	v20 =	vld [tilespmem:s24+$0x50];
	[tilespmem:v10+s15+$0x0] =	vst.idx.msk $0xffff, v18  }
0x48: {  	[tilespmem:v13+s15+$0x0] =	vst.idx.msk $0xffff, v14;
	v10 =	vmul.f32 $8.000000000e+00, v24;
	v14 =	vadd.s32 v2, v8;
	v24 =	vld [tilespmem:s23+$0x70]  }
0x49: {  	v27 =	vadd.s32 v1, v22;
	v25 =	vld [tilespmem:s24+$0xFFFFFF90];
	[tilespmem:v12+s15+$0x0] =	vst.idx.msk $0xffff, v9;
	v9 =	vmul.f32 $8.000000000e+00, v16  }
0x4a: {  	v29 =	vadd.s32 v3, v5;
	v5 =	vmov v22;
	v28 =	vld [tilespmem:s24+$0xFFFFFFD0];
	[tilespmem:v11+s15+$0x0] =	vst.idx.msk $0xffff, v10;
	v10 =	vmul.f32 $8.000000000e+00, v17  }
.Ltmp2:
0x4b: {  	v18 =	vadd.s32 v1, v4;
	v13 =	vld [tilespmem:s24+$0x10];
	v11 =	vmul.f32 $8.000000000e+00, v15;
	[tilespmem:v19+s15+$0x0] =	vst.idx.msk $0xffff, v9;
	(pc) =	sbr.rel @p0 .LBB2_2-.Ltmp2, $4  }
0x4c: {  	v16 =	vadd.s32 v1, v21;
	v15 =	vmul.f32 $8.000000000e+00, v20;
	v12 =	vld [tilespmem:s23+$0xFFFFFFF0];
	[tilespmem:v23+s15+$0x0] =	vst.idx.msk $0xffff, v10  }
0x4d: {  	v9 =	vmov s26;
	v10 =	vadd.s32 v1, v26;
	[tilespmem:v14+s15+$0x0] =	vst.idx.msk $0xffff, v11;
	v11 =	vld [tilespmem:s23+$0x30];
	v23 =	vmul.f32 $8.000000000e+00, v24  }
0x4e: {  	s28 =	sadd.s32 $0x3, s26;
	v9 =	vand.u32 $0x7C, v9;
	v20 =	vmul.f32 $8.000000000e+00, v25;
	[tilespmem:v27+s15+$0x0] =	vst.idx.msk $0xffff, v15;
	v14 =	vld [tilespmem:s23+$0xFFFFFFB0];
	v15 =	vadd.s32 v3, v6;
	v6 =	vmovc v21;
	s23 =	smov.u32 s24;
	s24 =	sadd.s32 $0x100, s24  }
0x4f: {  	v22 =	vmov s28;
	v17 =	vadd.s32 v3, v7;
	v7 =	vmovc v26;
	s26 =	sadd.s32 $0x4, s26;
	v19 =	vld [tilespmem:s24+$0x40];
	v21 =	vmul.f32 $8.000000000e+00, v28;
	[tilespmem:v29+s15+$0x0] =	vst.idx.msk $0xffff, v23  }
0x50: {  	s26 =	sadd.s32 $0x1, s25;
	v22 =	vand.u32 $0x7F, v22;
	v28 =	vld [tilespmem:s24+$0xFFFFFF80]  }
0x51: {  	s30 =	sadd.s32 $0x2, s25;
	v24 =	vld [tilespmem:s24+$0xFFFFFFC0];
	v23 =	vmov s26;
	v25 =	vadd.s32 v0, v22  }
0x52: {  	v27 =	vld [tilespmem:s24+$0x0];
	v51 =	vadd.s32 v0, v9;
	v26 =	vmov s30;
	v23 =	vand.u32 $0x7D, v23  }
0x53: {  	v26 =	vand.u32 $0x7E, v26;
	v29 =	vadd.s32 v0, v23  }
0x54: {  	[tilespmem:v18+s15+$0x0] =	vst.idx.msk $0xffff, v20;
	v30 =	vadd.s32 v0, v26;
	v19 =	vmul.f32 $8.000000000e+00, v19  }
0x55: {  	[tilespmem:v16+s15+$0x0] =	vst.idx.msk $0xffff, v21;
	v54 =	vmul.f32 $8.000000000e+00, v28  }
0x56: {  	v52 =	vmul.f32 $8.000000000e+00, v24;
	[tilespmem:v25+s15+$0x0] =	vst.idx.msk $0xffff, v19  }
0x57: {  	v53 =	vmul.f32 $8.000000000e+00, v27;
	v55 =	vld [tilespmem:s24+$0x50];
	[tilespmem:v51+s15+$0x0] =	vst.idx.msk $0xffff, v54  }
0x58: {  	v13 =	vmul.f32 $8.000000000e+00, v13;
	v8 =	vadd.s32 v3, v8;
	[tilespmem:v29+s15+$0x0] =	vst.idx.msk $0xffff, v52;
	v59 =	vld [tilespmem:s24+$0xFFFFFF90]  }
0x59: {  	v12 =	vmul.f32 $8.000000000e+00, v12;
	v57 =	vadd.s32 v1, v22;
	[tilespmem:v30+s15+$0x0] =	vst.idx.msk $0xffff, v53;
	v56 =	vld [tilespmem:s24+$0xFFFFFFD0]  }
0x5a: {  	[tilespmem:v10+s15+$0x0] =	vst.idx.msk $0xffff, v13;
	v58 =	vmul.f32 $8.000000000e+00, v11;
	v28 =	vadd.s32 v1, v9;
	v19 =	vld [tilespmem:s24+$0x10]  }
0x5b: {  	v61 =	vld [tilespmem:s23+$0x60];
	v60 =	vadd.s32 v1, v23;
	v14 =	vmul.f32 $8.000000000e+00, v14;
	[tilespmem:v15+s15+$0x0] =	vst.idx.msk $0xffff, v12  }
0x5c: {  	v32 =	vld [tilespmem:s23+$0xFFFFFFA0];
	v62 =	vadd.s32 v1, v26;
	[tilespmem:v17+s15+$0x0] =	vst.idx.msk $0xffff, v58;
	v16 =	vmul.f32 $8.000000000e+00, v55  }
0x5d: {  	[tilespmem:v8+s15+$0x0] =	vst.idx.msk $0xffff, v14;
	v29 =	vadd.s32 v2, v5;
	v30 =	vld [tilespmem:s23+$0x20];
	v11 =	vmul.f32 $8.000000000e+00, v59  }
0x5e: {  	v38 =	vadd.s32 v2, v4;
	v63 =	vld [tilespmem:s23+$0xFFFFFFE0];
	v31 =	vmul.f32 $8.000000000e+00, v56;
	[tilespmem:v57+s15+$0x0] =	vst.idx.msk $0xffff, v16  }
0x5f: {  	v35 =	vadd.s32 v2, v7;
	v34 =	vmul.f32 $8.000000000e+00, v19;
	v36 =	vld [tilespmem:s24+$0x60];
	[tilespmem:v28+s15+$0x0] =	vst.idx.msk $0xffff, v11  }
0x60: {  	v33 =	vadd.s32 v2, v6;
	v37 =	vmul.f32 $8.000000000e+00, v61;
	[tilespmem:v60+s15+$0x0] =	vst.idx.msk $0xffff, v31;
	v43 =	vld [tilespmem:s24+$0xFFFFFFA0]  }
0x61: {  	v40 =	vadd.s32 v2, v22;
	v14 =	vmul.f32 $8.000000000e+00, v32;
	[tilespmem:v62+s15+$0x0] =	vst.idx.msk $0xffff, v34;
	v39 =	vld [tilespmem:s24+$0xFFFFFFE0]  }
0x62: {  	v48 =	vadd.s32 v2, v9;
	[tilespmem:v29+s15+$0x0] =	vst.idx.msk $0xffff, v37;
	v42 =	vmul.f32 $8.000000000e+00, v30;
	v41 =	vld [tilespmem:s24+$0x20]  }
0x63: {  	v44 =	vadd.s32 v2, v23;
	v15 =	vmul.f32 $8.000000000e+00, v63;
	[tilespmem:v38+s15+$0x0] =	vst.idx.msk $0xffff, v14;
	v45 =	vld [tilespmem:s23+$0x70]  }
0x64: {  	v46 =	vadd.s32 v2, v26;
	v14 =	vld [tilespmem:s23+$0xFFFFFFB0];
	[tilespmem:v35+s15+$0x0] =	vst.idx.msk $0xffff, v42;
	v47 =	vmul.f32 $8.000000000e+00, v36  }
0x65: {  	v5 =	vadd.s32 v3, v5;
	[tilespmem:v33+s15+$0x0] =	vst.idx.msk $0xffff, v15;
	v49 =	vld [tilespmem:s23+$0x30];
	v53 =	vmul.f32 $8.000000000e+00, v43  }
0x66: {  	v4 =	vadd.s32 v3, v4;
	v21 =	vld [tilespmem:s23+$0xFFFFFFF0];
	v12 =	vmul.f32 $8.000000000e+00, v39;
	[tilespmem:v40+s15+$0x0] =	vst.idx.msk $0xffff, v47  }
0x67: {  	v52 =	vadd.s32 v3, v7;
	v51 =	vmul.f32 $8.000000000e+00, v41;
	v10 =	vld [tilespmem:s24+$0x70];
	[tilespmem:v48+s15+$0x0] =	vst.idx.msk $0xffff, v53  }
0x68: {  	v50 =	vadd.s32 v3, v6;
	v54 =	vmul.f32 $8.000000000e+00, v45;
	[tilespmem:v44+s15+$0x0] =	vst.idx.msk $0xffff, v12;
	v59 =	vld [tilespmem:s24+$0xFFFFFFB0]  }
0x69: {  	v57 =	vadd.s32 v3, v22;
	v14 =	vmul.f32 $8.000000000e+00, v14;
	[tilespmem:v46+s15+$0x0] =	vst.idx.msk $0xffff, v51;
	v55 =	vld [tilespmem:s24+$0xFFFFFFF0]  }
0x6a: {  	v62 =	vadd.s32 v3, v9;
	[tilespmem:v5+s15+$0x0] =	vst.idx.msk $0xffff, v54;
	v5 =	vmul.f32 $8.000000000e+00, v49;
	v58 =	vld [tilespmem:s24+$0x30]  }
0x6b: {  	v56 =	vmul.f32 $8.000000000e+00, v21;
	v60 =	vadd.s32 v3, v23;
	[tilespmem:v4+s15+$0x0] =	vst.idx.msk $0xffff, v14  }
0x6c: {  	v61 =	vadd.s32 v3, v26;
	[tilespmem:v52+s15+$0x0] =	vst.idx.msk $0xffff, v5;
	v5 =	vmul.f32 $8.000000000e+00, v10  }
0x6d: {  	[tilespmem:v50+s15+$0x0] =	vst.idx.msk $0xffff, v56;
	v63 =	vmul.f32 $8.000000000e+00, v59  }
0x6e: {  	v4 =	vmul.f32 $8.000000000e+00, v55;
	[tilespmem:v57+s15+$0x0] =	vst.idx.msk $0xffff, v5  }
0x6f: {  	v5 =	vmul.f32 $8.000000000e+00, v58;
	[tilespmem:v62+s15+$0x0] =	vst.idx.msk $0xffff, v63  }
0x70: {  	[tilespmem:v60+s15+$0x0] =	vst.idx.msk $0xffff, v4  }
0x71: {  	s31 =	simm.s32 $0xA400;
	[tilespmem:v61+s15+$0x0] =	vst.idx.msk $0xffff, v5  }
0x72: {  	[hbm4b:s7+s3] =	stream.linear.scatter [tilespmem:s31], [sflag:$0x3], $0x80, $0x38;
	[tilespmem:$0xE800] =	vst v63  }
0x73: {  	s25 =	sadd.s32 $0x10, s7;
	s24 =	simm.s32 $0xA488  }
0x74: {  	[hbm4b:s25+s3] =	stream.linear.scatter [tilespmem:s24], [sflag:$0x3], $0x80, $0x38;
	[tilespmem:$0xE800] =	vst v63  }
0x75: {  	s29 =	sadd.s32 $0x20, s7;
	s28 =	sadd.s32 $0x70, s7;
	s26 =	simm.s32 $0xA510  }
0x76: {  	[hbm4b:s29+s3] =	stream.linear.scatter [tilespmem:s26], [sflag:$0x3], $0x80, $0x38;
	[tilespmem:$0xE800] =	vst v63  }
0x77: {  	s30 =	simm.s32 $0xA598;
	s23 =	simm.s32 $0x440;
	s31 =	sadd.s32 $0x30, s7  }
0x78: {  	[hbm4b:s31+s3] =	stream.linear.scatter [tilespmem:s30], [sflag:$0x3], $0x80, $0x38;
	[tilespmem:$0xE800] =	vst v63  }
0x79: {  	s24 =	simm.s32 $0xA620;
	s25 =	sadd.s32 $0x40, s7;
	s26 =	simm.s32 $0xA6A8  }
0x7a: {  	[hbm4b:s25+s3] =	stream.linear.scatter [tilespmem:s24], [sflag:$0x3], $0x80, $0x38;
	[tilespmem:$0xE800] =	vst v63  }
0x7b: {  	s29 =	sadd.s32 $0x50, s7;
	s30 =	simm.s32 $0xA730;
	s31 =	sadd.s32 $0x60, s7  }
0x7c: {  	[hbm4b:s29+s3] =	stream.linear.scatter [tilespmem:s26], [sflag:$0x3], $0x80, $0x38;
	[tilespmem:$0xE800] =	vst v63  }
0x7d: {  	s25 =	simm.s32 $0x2200;
	s24 =	sadd.s32 $0x1000, s7;
	s26 =	simm.s32 $0xA7B8  }
0x7e: {  	[hbm4b:s31+s3] =	stream.linear.scatter [tilespmem:s30], [sflag:$0x3], $0x80, $0x38;
	[tilespmem:$0xE800] =	vst v63  }
.LBB2_4:
0x7f: {  	[hbm4b:s28+s3] =	stream.linear.scatter [tilespmem:s26], [sflag:$0x3], $0x80, $0x38;
	[tilespmem:$0xE800] =	vst v63  }
0x80: {  	s26 =	smov.u32 s23;
	s23 =	smov.u32 s25  }
0x81: {  	s29 =	sadd.s32 $0x1100, s25;
	s23 =	sshra.s32 s23, $0x2;
	s28 =	sadd.s32 $0xA400, s26  }
0x82: {  	[hbm4b:s24+s3] =	stream.linear.scatter [tilespmem:s28], [sflag:$0x3], $0x80, $0x38;
	[tilespmem:$0xE800] =	vst v63  }
0x83: {  	p0 =	sne.s32 s25, $0x7700;
	s25 =	sadd.s32 $0xA488, s26;
	s28 =	sadd.s32 $0x10, s24  }
0x84: {  	[hbm4b:s28+s3] =	stream.linear.scatter [tilespmem:s25], [sflag:$0x3], $0x80, $0x38;
	[tilespmem:$0xE800] =	vst v63  }
0x85: {  	s25 =	sadd.s32 $0xA510, s26;
	s28 =	sadd.s32 $0x20, s24  }
0x86: {  	[hbm4b:s28+s3] =	stream.linear.scatter [tilespmem:s25], [sflag:$0x3], $0x80, $0x38;
	[tilespmem:$0xE800] =	vst v63  }
0x87: {  	s25 =	sadd.s32 $0xA598, s26;
	s28 =	sadd.s32 $0x30, s24  }
0x88: {  	[hbm4b:s28+s3] =	stream.linear.scatter [tilespmem:s25], [sflag:$0x3], $0x80, $0x38;
	[tilespmem:$0xE800] =	vst v63  }
0x89: {  	s25 =	sadd.s32 $0xA620, s26;
	s28 =	sadd.s32 $0x40, s24  }
0x8a: {  	[hbm4b:s28+s3] =	stream.linear.scatter [tilespmem:s25], [sflag:$0x3], $0x80, $0x38;
	[tilespmem:$0xE800] =	vst v63  }
.Ltmp3:
0x8b: {  	s25 =	sadd.s32 $0xA6A8, s26;
	s28 =	sadd.s32 $0x50, s24;
	(pc) =	sbr.rel @p0 .LBB2_4-.Ltmp3, $4  }
0x8c: {  	[hbm4b:s28+s3] =	stream.linear.scatter [tilespmem:s25], [sflag:$0x3], $0x80, $0x38;
	[tilespmem:$0xE800] =	vst v63  }
0x8d: {  	s25 =	sadd.s32 $0xA730, s26;
	s28 =	sadd.s32 $0x60, s24;
	s26 =	sadd.s32 $0xA7B8, s26  }
0x8e: {  	[hbm4b:s28+s3] =	stream.linear.scatter [tilespmem:s25], [sflag:$0x3], $0x80, $0x38;
	[tilespmem:$0xE800] =	vst v63  }
0x8f: {  	s28 =	sadd.s32 $0x70, s24;
	s24 =	sadd.s32 $0x1000, s24;
	s25 =	smov.u32 s29  }
0x90: {  	[hbm4b:s28+s3] =	stream.linear.scatter [tilespmem:s26], [sflag:$0x3], $0x80, $0x38;
	[tilespmem:$0xE800] =	vst v63  }
0x91: {  	s25 =	sadd.s32 $0xA400, s23  }
0x92: {  	[hbm4b:s24+s3] =	stream.linear.scatter [tilespmem:s25], [sflag:$0x3], $0x80, $0x38;
	[tilespmem:$0xE800] =	vst v63  }
0x93: {  	s28 =	sadd.s32 $0xA488, s23;
	s29 =	sadd.s32 $0x10, s24  }
0x94: {  	[hbm4b:s29+s3] =	stream.linear.scatter [tilespmem:s28], [sflag:$0x3], $0x80, $0x38;
	[tilespmem:$0xE800] =	vst v63  }
0x95: {  	s30 =	sadd.s32 $0xA510, s23;
	s31 =	sadd.s32 $0x20, s24  }
0x96: {  	[hbm4b:s31+s3] =	stream.linear.scatter [tilespmem:s30], [sflag:$0x3], $0x80, $0x38;
	[tilespmem:$0xE800] =	vst v63  }
0x97: {  	s28 =	sadd.s32 $0xA598, s23;
	s29 =	sadd.s32 $0x30, s24  }
0x98: {  	[hbm4b:s29+s3] =	stream.linear.scatter [tilespmem:s28], [sflag:$0x3], $0x80, $0x38;
	[tilespmem:$0xE800] =	vst v63  }
0x99: {  	s30 =	sadd.s32 $0xA620, s23;
	s31 =	sadd.s32 $0x40, s24  }
0x9a: {  	[hbm4b:s31+s3] =	stream.linear.scatter [tilespmem:s30], [sflag:$0x3], $0x80, $0x38;
	[tilespmem:$0xE800] =	vst v63  }
0x9b: {  	s28 =	sadd.s32 $0xA6A8, s23;
	s29 =	sadd.s32 $0x50, s24  }
0x9c: {  	[hbm4b:s29+s3] =	stream.linear.scatter [tilespmem:s28], [sflag:$0x3], $0x80, $0x38;
	[tilespmem:$0xE800] =	vst v63  }
0x9d: {  	s30 =	sadd.s32 $0xA730, s23;
	s31 =	sadd.s32 $0x60, s24  }
0x9e: {  	[hbm4b:s31+s3] =	stream.linear.scatter [tilespmem:s30], [sflag:$0x3], $0x80, $0x38;
	[tilespmem:$0xE800] =	vst v63  }
0x9f: {  	s26 =	sadd.s32 $0x70, s24;
	s25 =	sadd.s32 $0xA7B8, s23  }
0xa0: {  	[hbm4b:s26+s3] =	stream.linear.scatter [tilespmem:s25], [sflag:$0x3], $0x80, $0x38;
	[tilespmem:$0xE800] =	vst v63  }
0xa1: {  	_ = 	snop  }
0xa2: {  	[tilespmem:s12], [sflag:$0x1] =	stream.indirect.gather [hbm4b:s4+s11], $0x40, s16, s11, $0xb8;
	[tilespmem:$0xE800] =	vst v63  }
0xa3: {  	_ =	swait.ge [sflag:s17], $0x2000  }
0xa4: {  	[sflag:s17] =	ssyncset.done $0x0  }
0xa5: {  	s28 =	simm.s32 $0x3;
	s26 =	simm.s32 $0x84F0;
	[sflag:s17] =	ssyncadd.s32 $0xFFFFE000  }
0xa6: {  	v4 =	vmov s28;
	v5 =	vld [tilespmem:s26+$0xFFFFFFD0]  }
0xa7: {  	v9 =	vand.u32 $0x7F, v4  }
0xa8: {  	s29 =	simm.s32 $0x0;
	v4 =	vadd.s32 v0, v9  }
0xa9: {  	v6 =	vmov s29;
	s30 =	simm.s32 $0x1;
	s31 =	simm.s32 $0x2;
	v7 =	vld [tilespmem:s26+$0xFFFFFF10]  }
0xaa: {  	v8 =	vand.u32 $0x7C, v6;
	v6 =	vmov s30;
	v11 =	vmov s31;
	v10 =	vld [tilespmem:s26+$0xFFFFFF50]  }
0xab: {  	v12 =	vadd.s32 v0, v8;
	v15 =	vand.u32 $0x7D, v6;
	v6 =	vld [tilespmem:s26+$0xFFFFFF90];
	v5 =	vmul.f32 $8.000000000e+00, v5  }
0xac: {  	v17 =	vand.u32 $0x7E, v11;
	v13 =	vadd.s32 v0, v15  }
0xad: {  	v11 =	vadd.s32 v0, v17;
	[tilespmem:v4+s18+$0x0] =	vst.idx.msk $0xffff, v5  }
0xae: {  	v4 =	vmul.f32 $8.000000000e+00, v7;
	v5 =	vld [tilespmem:s26+$0xFFFFFFE0]  }
0xaf: {  	v7 =	vmul.f32 $8.000000000e+00, v10  }
0xb0: {  	[tilespmem:v12+s18+$0x0] =	vst.idx.msk $0xffff, v4;
	v4 =	vmul.f32 $8.000000000e+00, v6;
	v6 =	vadd.s32 v1, v9  }
0xb1: {  	[tilespmem:v13+s18+$0x0] =	vst.idx.msk $0xffff, v7;
	v10 =	vld [tilespmem:s26+$0xFFFFFF20]  }
0xb2: {  	v7 =	vld [tilespmem:s26+$0xFFFFFF60];
	[tilespmem:v11+s18+$0x0] =	vst.idx.msk $0xffff, v4  }
0xb3: {  	v11 =	vld [tilespmem:s26+$0xFFFFFFA0];
	v4 =	vmul.f32 $8.000000000e+00, v5  }
0xb4: {  	s23 =	simm.s32 $0x85F0;
	s28 =	simm.s32 $0x7;
	s25 =	simm.s32 $0x4;
	v12 =	vadd.s32 v1, v15  }
0xb5: {  	v14 =	vld [tilespmem:s23+$0xFFFFFFD0];
	v13 =	vadd.s32 v1, v17;
	v5 =	vmov s25;
	[tilespmem:v6+s18+$0x0] =	vst.idx.msk $0xffff, v4;
	v6 =	vmov s28  }
0xb6: {  	v16 =	vadd.s32 v1, v8;
	v4 =	vand.u32 $0x7C, v5;
	v5 =	vand.u32 $0x7F, v6;
	v18 =	vld [tilespmem:s26+$0xFFFFFFF0]  }
0xb7: {  	s29 =	simm.s32 $0x5;
	v22 =	vadd.s32 v2, v9;
	v19 =	vld [tilespmem:s23+$0xFFFFFF10];
	v6 =	vmul.f32 $8.000000000e+00, v7;
	v20 =	vadd.s32 v0, v5  }
0xb8: {  	s30 =	simm.s32 $0x6;
	v21 =	vld [tilespmem:s23+$0xFFFFFF50];
	v10 =	vmul.f32 $8.000000000e+00, v10;
	v7 =	vmul.f32 $8.000000000e+00, v11;
	v11 =	vmov s29  }
0xb9: {  	v23 =	vadd.s32 v0, v4;
	[tilespmem:v12+s18+$0x0] =	vst.idx.msk $0xffff, v6;
	v12 =	vmov s30;
	v6 =	vand.u32 $0x7D, v11;
	v11 =	vld [tilespmem:s23+$0xFFFFFF90]  }
0xba: {  	[tilespmem:v13+s18+$0x0] =	vst.idx.msk $0xffff, v7;
	v13 =	vadd.s32 v0, v6;
	v7 =	vand.u32 $0x7E, v12;
	v12 =	vmul.f32 $8.000000000e+00, v14;
	v14 =	vld [tilespmem:s26+$0xFFFFFF70]  }
0xbb: {  	[tilespmem:v16+s18+$0x0] =	vst.idx.msk $0xffff, v10;
	v10 =	vadd.s32 v0, v7;
	v16 =	vld [tilespmem:s26+$0xFFFFFFB0];
	v18 =	vmul.f32 $8.000000000e+00, v18  }
0xbc: {  	v19 =	vmul.f32 $8.000000000e+00, v19;
	[tilespmem:v20+s18+$0x0] =	vst.idx.msk $0xffff, v12;
	v12 =	vld [tilespmem:s26+$0xFFFFFF30];
	v20 =	vadd.s32 v2, v15  }
0xbd: {  	v25 =	vadd.s32 v2, v17;
	v21 =	vmul.f32 $8.000000000e+00, v21;
	v24 =	vld [tilespmem:s23+$0xFFFFFFE0];
	[tilespmem:v22+s18+$0x0] =	vst.idx.msk $0xffff, v18  }
0xbe: {  	[tilespmem:v23+s18+$0x0] =	vst.idx.msk $0xffff, v19;
	v19 =	vadd.s32 v2, v8;
	v11 =	vmul.f32 $8.000000000e+00, v11;
	v22 =	vld [tilespmem:s26+$0x0]  }
0xbf: {  	v23 =	vld [tilespmem:s23+$0xFFFFFF20];
	[tilespmem:v13+s18+$0x0] =	vst.idx.msk $0xffff, v21;
	v21 =	vadd.s32 v1, v5;
	v14 =	vmul.f32 $8.000000000e+00, v14  }
0xc0: {  	v27 =	vadd.s32 v3, v9;
	v26 =	vld [tilespmem:s23+$0xFFFFFF60];
	[tilespmem:v10+s18+$0x0] =	vst.idx.msk $0xffff, v11;
	v10 =	vmul.f32 $8.000000000e+00, v16  }
0xc1: {  	v18 =	vadd.s32 v1, v4;
	v13 =	vld [tilespmem:s23+$0xFFFFFFA0];
	v9 =	vmul.f32 $8.000000000e+00, v12;
	[tilespmem:v20+s18+$0x0] =	vst.idx.msk $0xffff, v14  }
0xc2: {  	s25 =	simm.s32 $0x8;
	v16 =	vadd.s32 v1, v6;
	[tilespmem:v25+s18+$0x0] =	vst.idx.msk $0xffff, v10;
	v14 =	vmul.f32 $8.000000000e+00, v24;
	v12 =	vld [tilespmem:s26+$0xFFFFFF80]  }
0xc3: {  	v20 =	vmov s25;
	v10 =	vadd.s32 v1, v7;
	v11 =	vld [tilespmem:s26+$0xFFFFFFC0];
	[tilespmem:v19+s18+$0x0] =	vst.idx.msk $0xffff, v9;
	v63 =	vmul.f32 $8.000000000e+00, v22  }
0xc4: {  	s24 =	simm.s32 $0x86F0;
	s31 =	simm.s32 $0xB;
	v15 =	vadd.s32 v3, v15;
	v9 =	vand.u32 $0x7C, v20;
	v20 =	vmul.f32 $8.000000000e+00, v23;
	[tilespmem:v21+s18+$0x0] =	vst.idx.msk $0xffff, v14;
	v14 =	vld [tilespmem:s26+$0xFFFFFF40]  }
0xc5: {  	v17 =	vadd.s32 v3, v17;
	v22 =	vmov s31;
	v19 =	vld [tilespmem:s24+$0xFFFFFFD0];
	s26 =	simm.s32 $0xC;
	v21 =	vmul.f32 $8.000000000e+00, v26;
	[tilespmem:v27+s18+$0x0] =	vst.idx.msk $0xffff, v63  }
.LBB2_6:
0xc6: {  	p0 =	slt.u32 s26, $0x7C;
	s28 =	sadd.s32 $0x1, s25;
	v22 =	vand.u32 $0x7F, v22;
	[tilespmem:v18+s18+$0x0] =	vst.idx.msk $0xffff, v20;
	v13 =	vmul.f32 $8.000000000e+00, v13;
	v18 =	vld [tilespmem:s23+$0xFFFFFFF0];
	v20 =	vadd.s32 v3, v8;
	v8 =	vmovc v4  }
0xc7: {  	v4 =	vmovc v9;
	v23 =	vld [tilespmem:s24+$0xFFFFFF10];
	v24 =	vmov s28;
	s28 =	sadd.s32 $0x2, s25;
	v25 =	vadd.s32 v0, v22;
	[tilespmem:v16+s18+$0x0] =	vst.idx.msk $0xffff, v21;
	v12 =	vmul.f32 $8.000000000e+00, v12;
	s25 =	smov.u32 s26  }
0xc8: {  	v9 =	vld [tilespmem:s24+$0xFFFFFF50];
	v16 =	vmov s28;
	[tilespmem:v10+s18+$0x0] =	vst.idx.msk $0xffff, v13;
	v10 =	vadd.s32 v2, v5;
	v11 =	vmul.f32 $8.000000000e+00, v11  }
0xc9: {  	v13 =	vadd.s32 v0, v4;
	v21 =	vand.u32 $0x7D, v24;
	v24 =	vld [tilespmem:s24+$0xFFFFFF90];
	v14 =	vmul.f32 $8.000000000e+00, v14;
	[tilespmem:v15+s18+$0x0] =	vst.idx.msk $0xffff, v12  }
0xca: {  	v12 =	vadd.s32 v0, v21;
	v26 =	vand.u32 $0x7E, v16;
	v15 =	vmul.f32 $8.000000000e+00, v19;
	v16 =	vld [tilespmem:s23+$0xFFFFFF70];
	[tilespmem:v17+s18+$0x0] =	vst.idx.msk $0xffff, v11  }
0xcb: {  	v11 =	vadd.s32 v0, v26;
	v17 =	vld [tilespmem:s23+$0xFFFFFFB0];
	v18 =	vmul.f32 $8.000000000e+00, v18;
	[tilespmem:v20+s18+$0x0] =	vst.idx.msk $0xffff, v14  }
0xcc: {  	v19 =	vadd.s32 v2, v6;
	v14 =	vmul.f32 $8.000000000e+00, v23;
	[tilespmem:v25+s18+$0x0] =	vst.idx.msk $0xffff, v15;
	v15 =	vld [tilespmem:s23+$0xFFFFFF30]  }
0xcd: {  	v23 =	vadd.s32 v2, v7;
	v9 =	vmul.f32 $8.000000000e+00, v9;
	v20 =	vld [tilespmem:s24+$0xFFFFFFE0];
	[tilespmem:v10+s18+$0x0] =	vst.idx.msk $0xffff, v18  }
0xce: {  	[tilespmem:v13+s18+$0x0] =	vst.idx.msk $0xffff, v14;
	v10 =	vmul.f32 $8.000000000e+00, v24;
	v14 =	vadd.s32 v2, v8;
	v24 =	vld [tilespmem:s23+$0x0]  }
0xcf: {  	v27 =	vadd.s32 v1, v22;
	v25 =	vld [tilespmem:s24+$0xFFFFFF20];
	[tilespmem:v12+s18+$0x0] =	vst.idx.msk $0xffff, v9;
	v9 =	vmul.f32 $8.000000000e+00, v16  }
0xd0: {  	v29 =	vadd.s32 v3, v5;
	v5 =	vmov v22;
	v28 =	vld [tilespmem:s24+$0xFFFFFF60];
	[tilespmem:v11+s18+$0x0] =	vst.idx.msk $0xffff, v10;
	v10 =	vmul.f32 $8.000000000e+00, v17  }
.Ltmp4:
0xd1: {  	v18 =	vadd.s32 v1, v4;
	v13 =	vld [tilespmem:s24+$0xFFFFFFA0];
	v11 =	vmul.f32 $8.000000000e+00, v15;
	[tilespmem:v19+s18+$0x0] =	vst.idx.msk $0xffff, v9;
	(pc) =	sbr.rel @p0 .LBB2_6-.Ltmp4, $4  }
0xd2: {  	v16 =	vadd.s32 v1, v21;
	v15 =	vmul.f32 $8.000000000e+00, v20;
	v12 =	vld [tilespmem:s23+$0xFFFFFF80];
	[tilespmem:v23+s18+$0x0] =	vst.idx.msk $0xffff, v10  }
0xd3: {  	v9 =	vmov s26;
	v10 =	vadd.s32 v1, v26;
	[tilespmem:v14+s18+$0x0] =	vst.idx.msk $0xffff, v11;
	v11 =	vld [tilespmem:s23+$0xFFFFFFC0];
	v23 =	vmul.f32 $8.000000000e+00, v24  }
0xd4: {  	s28 =	sadd.s32 $0x3, s26;
	v9 =	vand.u32 $0x7C, v9;
	v20 =	vmul.f32 $8.000000000e+00, v25;
	[tilespmem:v27+s18+$0x0] =	vst.idx.msk $0xffff, v15;
	v14 =	vld [tilespmem:s23+$0xFFFFFF40];
	v15 =	vadd.s32 v3, v6;
	v6 =	vmovc v21;
	s23 =	smov.u32 s24;
	s24 =	sadd.s32 $0x100, s24  }
0xd5: {  	v22 =	vmov s28;
	v17 =	vadd.s32 v3, v7;
	v7 =	vmovc v26;
	s26 =	sadd.s32 $0x4, s26;
	v19 =	vld [tilespmem:s24+$0xFFFFFFD0];
	v21 =	vmul.f32 $8.000000000e+00, v28;
	[tilespmem:v29+s18+$0x0] =	vst.idx.msk $0xffff, v23  }
0xd6: {  	s26 =	sadd.s32 $0x1, s25;
	v22 =	vand.u32 $0x7F, v22;
	v28 =	vld [tilespmem:s24+$0xFFFFFF10]  }
0xd7: {  	s30 =	sadd.s32 $0x2, s25;
	v24 =	vld [tilespmem:s24+$0xFFFFFF50];
	v23 =	vmov s26;
	v25 =	vadd.s32 v0, v22  }
0xd8: {  	v27 =	vld [tilespmem:s24+$0xFFFFFF90];
	v51 =	vadd.s32 v0, v9;
	v26 =	vmov s30;
	v23 =	vand.u32 $0x7D, v23  }
0xd9: {  	v26 =	vand.u32 $0x7E, v26;
	v29 =	vadd.s32 v0, v23  }
0xda: {  	[tilespmem:v18+s18+$0x0] =	vst.idx.msk $0xffff, v20;
	v30 =	vadd.s32 v0, v26;
	v19 =	vmul.f32 $8.000000000e+00, v19  }
0xdb: {  	[tilespmem:v16+s18+$0x0] =	vst.idx.msk $0xffff, v21;
	v54 =	vmul.f32 $8.000000000e+00, v28  }
0xdc: {  	v52 =	vmul.f32 $8.000000000e+00, v24;
	[tilespmem:v25+s18+$0x0] =	vst.idx.msk $0xffff, v19  }
0xdd: {  	v53 =	vmul.f32 $8.000000000e+00, v27;
	v55 =	vld [tilespmem:s24+$0xFFFFFFE0];
	[tilespmem:v51+s18+$0x0] =	vst.idx.msk $0xffff, v54  }
0xde: {  	v13 =	vmul.f32 $8.000000000e+00, v13;
	v8 =	vadd.s32 v3, v8;
	[tilespmem:v29+s18+$0x0] =	vst.idx.msk $0xffff, v52;
	v59 =	vld [tilespmem:s24+$0xFFFFFF20]  }
0xdf: {  	v12 =	vmul.f32 $8.000000000e+00, v12;
	v57 =	vadd.s32 v1, v22;
	[tilespmem:v30+s18+$0x0] =	vst.idx.msk $0xffff, v53;
	v56 =	vld [tilespmem:s24+$0xFFFFFF60]  }
0xe0: {  	[tilespmem:v10+s18+$0x0] =	vst.idx.msk $0xffff, v13;
	v58 =	vmul.f32 $8.000000000e+00, v11;
	v28 =	vadd.s32 v1, v9;
	v19 =	vld [tilespmem:s24+$0xFFFFFFA0]  }
0xe1: {  	v61 =	vld [tilespmem:s23+$0xFFFFFFF0];
	v60 =	vadd.s32 v1, v23;
	v14 =	vmul.f32 $8.000000000e+00, v14;
	[tilespmem:v15+s18+$0x0] =	vst.idx.msk $0xffff, v12  }
0xe2: {  	v32 =	vld [tilespmem:s23+$0xFFFFFF30];
	v62 =	vadd.s32 v1, v26;
	[tilespmem:v17+s18+$0x0] =	vst.idx.msk $0xffff, v58;
	v16 =	vmul.f32 $8.000000000e+00, v55  }
0xe3: {  	[tilespmem:v8+s18+$0x0] =	vst.idx.msk $0xffff, v14;
	v29 =	vadd.s32 v2, v5;
	v30 =	vld [tilespmem:s23+$0xFFFFFFB0];
	v11 =	vmul.f32 $8.000000000e+00, v59  }
0xe4: {  	v38 =	vadd.s32 v2, v4;
	v63 =	vld [tilespmem:s23+$0xFFFFFF70];
	v31 =	vmul.f32 $8.000000000e+00, v56;
	[tilespmem:v57+s18+$0x0] =	vst.idx.msk $0xffff, v16  }
0xe5: {  	v35 =	vadd.s32 v2, v7;
	v34 =	vmul.f32 $8.000000000e+00, v19;
	v36 =	vld [tilespmem:s24+$0xFFFFFFF0];
	[tilespmem:v28+s18+$0x0] =	vst.idx.msk $0xffff, v11  }
0xe6: {  	v33 =	vadd.s32 v2, v6;
	v37 =	vmul.f32 $8.000000000e+00, v61;
	[tilespmem:v60+s18+$0x0] =	vst.idx.msk $0xffff, v31;
	v43 =	vld [tilespmem:s24+$0xFFFFFF30]  }
0xe7: {  	v40 =	vadd.s32 v2, v22;
	v14 =	vmul.f32 $8.000000000e+00, v32;
	[tilespmem:v62+s18+$0x0] =	vst.idx.msk $0xffff, v34;
	v39 =	vld [tilespmem:s24+$0xFFFFFF70]  }
0xe8: {  	v48 =	vadd.s32 v2, v9;
	[tilespmem:v29+s18+$0x0] =	vst.idx.msk $0xffff, v37;
	v42 =	vmul.f32 $8.000000000e+00, v30;
	v41 =	vld [tilespmem:s24+$0xFFFFFFB0]  }
0xe9: {  	v44 =	vadd.s32 v2, v23;
	v15 =	vmul.f32 $8.000000000e+00, v63;
	[tilespmem:v38+s18+$0x0] =	vst.idx.msk $0xffff, v14;
	v45 =	vld [tilespmem:s23+$0x0]  }
0xea: {  	v46 =	vadd.s32 v2, v26;
	v14 =	vld [tilespmem:s23+$0xFFFFFF40];
	[tilespmem:v35+s18+$0x0] =	vst.idx.msk $0xffff, v42;
	v47 =	vmul.f32 $8.000000000e+00, v36  }
0xeb: {  	v5 =	vadd.s32 v3, v5;
	[tilespmem:v33+s18+$0x0] =	vst.idx.msk $0xffff, v15;
	v49 =	vld [tilespmem:s23+$0xFFFFFFC0];
	v53 =	vmul.f32 $8.000000000e+00, v43  }
0xec: {  	v4 =	vadd.s32 v3, v4;
	v21 =	vld [tilespmem:s23+$0xFFFFFF80];
	v12 =	vmul.f32 $8.000000000e+00, v39;
	[tilespmem:v40+s18+$0x0] =	vst.idx.msk $0xffff, v47  }
0xed: {  	v52 =	vadd.s32 v3, v7;
	v51 =	vmul.f32 $8.000000000e+00, v41;
	v10 =	vld [tilespmem:s24+$0x0];
	[tilespmem:v48+s18+$0x0] =	vst.idx.msk $0xffff, v53  }
0xee: {  	v50 =	vadd.s32 v3, v6;
	v54 =	vmul.f32 $8.000000000e+00, v45;
	[tilespmem:v44+s18+$0x0] =	vst.idx.msk $0xffff, v12;
	v59 =	vld [tilespmem:s24+$0xFFFFFF40]  }
0xef: {  	v57 =	vadd.s32 v3, v22;
	v14 =	vmul.f32 $8.000000000e+00, v14;
	[tilespmem:v46+s18+$0x0] =	vst.idx.msk $0xffff, v51;
	v55 =	vld [tilespmem:s24+$0xFFFFFF80]  }
0xf0: {  	v62 =	vadd.s32 v3, v9;
	[tilespmem:v5+s18+$0x0] =	vst.idx.msk $0xffff, v54;
	v5 =	vmul.f32 $8.000000000e+00, v49;
	v58 =	vld [tilespmem:s24+$0xFFFFFFC0]  }
0xf1: {  	v56 =	vmul.f32 $8.000000000e+00, v21;
	v60 =	vadd.s32 v3, v23;
	[tilespmem:v4+s18+$0x0] =	vst.idx.msk $0xffff, v14  }
0xf2: {  	v61 =	vadd.s32 v3, v26;
	[tilespmem:v52+s18+$0x0] =	vst.idx.msk $0xffff, v5;
	v5 =	vmul.f32 $8.000000000e+00, v10  }
0xf3: {  	[tilespmem:v50+s18+$0x0] =	vst.idx.msk $0xffff, v56;
	v63 =	vmul.f32 $8.000000000e+00, v59  }
0xf4: {  	v4 =	vmul.f32 $8.000000000e+00, v55;
	[tilespmem:v57+s18+$0x0] =	vst.idx.msk $0xffff, v5  }
0xf5: {  	v5 =	vmul.f32 $8.000000000e+00, v58;
	[tilespmem:v62+s18+$0x0] =	vst.idx.msk $0xffff, v63  }
0xf6: {  	[tilespmem:v60+s18+$0x0] =	vst.idx.msk $0xffff, v4  }
0xf7: {  	s31 =	simm.s32 $0xC600;
	[tilespmem:v61+s18+$0x0] =	vst.idx.msk $0xffff, v5  }
0xf8: {  	[hbm4b:s8+s3] =	stream.linear.scatter [tilespmem:s31], [sflag:$0x4], $0x80, $0x38;
	[tilespmem:$0xE800] =	vst v63  }
0xf9: {  	s25 =	sadd.s32 $0x10, s8;
	s24 =	simm.s32 $0xC688  }
0xfa: {  	[hbm4b:s25+s3] =	stream.linear.scatter [tilespmem:s24], [sflag:$0x4], $0x80, $0x38;
	[tilespmem:$0xE800] =	vst v63  }
0xfb: {  	s29 =	sadd.s32 $0x20, s8;
	s28 =	sadd.s32 $0x70, s8;
	s26 =	simm.s32 $0xC710  }
0xfc: {  	[hbm4b:s29+s3] =	stream.linear.scatter [tilespmem:s26], [sflag:$0x4], $0x80, $0x38;
	[tilespmem:$0xE800] =	vst v63  }
0xfd: {  	s30 =	simm.s32 $0xC798;
	s23 =	simm.s32 $0x440;
	s31 =	sadd.s32 $0x30, s8  }
0xfe: {  	[hbm4b:s31+s3] =	stream.linear.scatter [tilespmem:s30], [sflag:$0x4], $0x80, $0x38;
	[tilespmem:$0xE800] =	vst v63  }
0xff: {  	s24 =	simm.s32 $0xC820;
	s25 =	sadd.s32 $0x40, s8;
	s26 =	simm.s32 $0xC8A8  }
0x100: {  	[hbm4b:s25+s3] =	stream.linear.scatter [tilespmem:s24], [sflag:$0x4], $0x80, $0x38;
	[tilespmem:$0xE800] =	vst v63  }
0x101: {  	s29 =	sadd.s32 $0x50, s8;
	s30 =	simm.s32 $0xC930;
	s31 =	sadd.s32 $0x60, s8  }
0x102: {  	[hbm4b:s29+s3] =	stream.linear.scatter [tilespmem:s26], [sflag:$0x4], $0x80, $0x38;
	[tilespmem:$0xE800] =	vst v63  }
0x103: {  	s25 =	simm.s32 $0x2200;
	s24 =	sadd.s32 $0x1000, s8;
	s26 =	simm.s32 $0xC9B8  }
0x104: {  	[hbm4b:s31+s3] =	stream.linear.scatter [tilespmem:s30], [sflag:$0x4], $0x80, $0x38;
	[tilespmem:$0xE800] =	vst v63  }
.LBB2_8:
0x105: {  	[hbm4b:s28+s3] =	stream.linear.scatter [tilespmem:s26], [sflag:$0x4], $0x80, $0x38;
	[tilespmem:$0xE800] =	vst v63  }
0x106: {  	s26 =	smov.u32 s23;
	s23 =	smov.u32 s25  }
0x107: {  	s29 =	sadd.s32 $0x1100, s25;
	s23 =	sshra.s32 s23, $0x2;
	s28 =	sadd.s32 $0xC600, s26  }
0x108: {  	[hbm4b:s24+s3] =	stream.linear.scatter [tilespmem:s28], [sflag:$0x4], $0x80, $0x38;
	[tilespmem:$0xE800] =	vst v63  }
0x109: {  	p0 =	sne.s32 s25, $0x7700;
	s25 =	sadd.s32 $0xC688, s26;
	s28 =	sadd.s32 $0x10, s24  }
0x10a: {  	[hbm4b:s28+s3] =	stream.linear.scatter [tilespmem:s25], [sflag:$0x4], $0x80, $0x38;
	[tilespmem:$0xE800] =	vst v63  }
0x10b: {  	s25 =	sadd.s32 $0xC710, s26;
	s28 =	sadd.s32 $0x20, s24  }
0x10c: {  	[hbm4b:s28+s3] =	stream.linear.scatter [tilespmem:s25], [sflag:$0x4], $0x80, $0x38;
	[tilespmem:$0xE800] =	vst v63  }
0x10d: {  	s25 =	sadd.s32 $0xC798, s26;
	s28 =	sadd.s32 $0x30, s24  }
0x10e: {  	[hbm4b:s28+s3] =	stream.linear.scatter [tilespmem:s25], [sflag:$0x4], $0x80, $0x38;
	[tilespmem:$0xE800] =	vst v63  }
0x10f: {  	s25 =	sadd.s32 $0xC820, s26;
	s28 =	sadd.s32 $0x40, s24  }
0x110: {  	[hbm4b:s28+s3] =	stream.linear.scatter [tilespmem:s25], [sflag:$0x4], $0x80, $0x38;
	[tilespmem:$0xE800] =	vst v63  }
.Ltmp5:
0x111: {  	s25 =	sadd.s32 $0xC8A8, s26;
	s28 =	sadd.s32 $0x50, s24;
	(pc) =	sbr.rel @p0 .LBB2_8-.Ltmp5, $4  }
0x112: {  	[hbm4b:s28+s3] =	stream.linear.scatter [tilespmem:s25], [sflag:$0x4], $0x80, $0x38;
	[tilespmem:$0xE800] =	vst v63  }
0x113: {  	s25 =	sadd.s32 $0xC930, s26;
	s28 =	sadd.s32 $0x60, s24;
	s26 =	sadd.s32 $0xC9B8, s26  }
0x114: {  	[hbm4b:s28+s3] =	stream.linear.scatter [tilespmem:s25], [sflag:$0x4], $0x80, $0x38;
	[tilespmem:$0xE800] =	vst v63  }
0x115: {  	s28 =	sadd.s32 $0x70, s24;
	s24 =	sadd.s32 $0x1000, s24;
	s25 =	smov.u32 s29  }
0x116: {  	[hbm4b:s28+s3] =	stream.linear.scatter [tilespmem:s26], [sflag:$0x4], $0x80, $0x38;
	[tilespmem:$0xE800] =	vst v63  }
0x117: {  	s25 =	sadd.s32 $0xC600, s23  }
0x118: {  	[hbm4b:s24+s3] =	stream.linear.scatter [tilespmem:s25], [sflag:$0x4], $0x80, $0x38;
	[tilespmem:$0xE800] =	vst v63  }
0x119: {  	s30 =	sadd.s32 $0xC688, s23;
	s31 =	sadd.s32 $0x10, s24  }
0x11a: {  	[hbm4b:s31+s3] =	stream.linear.scatter [tilespmem:s30], [sflag:$0x4], $0x80, $0x38;
	[tilespmem:$0xE800] =	vst v63  }
0x11b: {  	s28 =	sadd.s32 $0xC710, s23;
	s29 =	sadd.s32 $0x20, s24  }
0x11c: {  	[hbm4b:s29+s3] =	stream.linear.scatter [tilespmem:s28], [sflag:$0x4], $0x80, $0x38;
	[tilespmem:$0xE800] =	vst v63  }
0x11d: {  	s30 =	sadd.s32 $0xC798, s23;
	s31 =	sadd.s32 $0x30, s24  }
0x11e: {  	[hbm4b:s31+s3] =	stream.linear.scatter [tilespmem:s30], [sflag:$0x4], $0x80, $0x38;
	[tilespmem:$0xE800] =	vst v63  }
0x11f: {  	s28 =	sadd.s32 $0xC820, s23;
	s29 =	sadd.s32 $0x40, s24  }
0x120: {  	[hbm4b:s29+s3] =	stream.linear.scatter [tilespmem:s28], [sflag:$0x4], $0x80, $0x38;
	[tilespmem:$0xE800] =	vst v63  }
0x121: {  	s30 =	sadd.s32 $0xC8A8, s23;
	s31 =	sadd.s32 $0x50, s24  }
0x122: {  	[hbm4b:s31+s3] =	stream.linear.scatter [tilespmem:s30], [sflag:$0x4], $0x80, $0x38;
	[tilespmem:$0xE800] =	vst v63  }
0x123: {  	s28 =	sadd.s32 $0xC930, s23;
	s29 =	sadd.s32 $0x60, s24  }
0x124: {  	[hbm4b:s29+s3] =	stream.linear.scatter [tilespmem:s28], [sflag:$0x4], $0x80, $0x38;
	[tilespmem:$0xE800] =	vst v63  }
0x125: {  	s30 =	sadd.s32 $0xC9B8, s23;
	s31 =	sadd.s32 $0x70, s24  }
0x126: {  	[hbm4b:s31+s3] =	stream.linear.scatter [tilespmem:s30], [sflag:$0x4], $0x80, $0x38;
	[tilespmem:$0xE800] =	vst v63  }
0x127: {  	s23 =	simm.s32 $0x1  }
0x128: {  	[tilespmem:s13], [sflag:$0x2] =	stream.indirect.gather [hbm4b:s4+s11], $0x40, s19, s11, $0xb8;
	[tilespmem:$0xE800] =	vst v63  }
.LBB2_10:
0x129: {  	_ =	swait.ge [sflag:s14], $0x2000  }
0x12a: {  	[sflag:s14] =	ssyncset.done $0x0  }
0x12b: {  	[sflag:s14] =	ssyncadd.s32 $0xFFFFE000  }
0x12c: {  	_ =	swait.ge [sflag:s20], $0x2000  }
0x12d: {  	[sflag:s20] =	ssyncset.done $0x0  }
0x12e: {  	s28 =	simm.s32 $0x6480;
	s24 =	simm.s32 $0x3;
	[sflag:s20] =	ssyncadd.s32 $0xFFFFE000  }
0x12f: {  	v4 =	vmov s24;
	v5 =	vld [tilespmem:s28+$0x40]  }
0x130: {  	v9 =	vand.u32 $0x7F, v4  }
0x131: {  	s25 =	simm.s32 $0x0;
	v4 =	vadd.s32 v0, v9  }
0x132: {  	s26 =	simm.s32 $0x1;
	v6 =	vmov s25;
	s25 =	simm.s32 $0x2;
	v7 =	vld [tilespmem:s28+$0xFFFFFF80]  }
0x133: {  	v8 =	vand.u32 $0x7C, v6;
	v6 =	vmov s26;
	v11 =	vmov s25;
	v10 =	vld [tilespmem:s28+$0xFFFFFFC0]  }
0x134: {  	v12 =	vadd.s32 v0, v8;
	v15 =	vand.u32 $0x7D, v6;
	v6 =	vld [tilespmem:s28+$0x0];
	v5 =	vmul.f32 $8.000000000e+00, v5  }
0x135: {  	v17 =	vand.u32 $0x7E, v11;
	v13 =	vadd.s32 v0, v15  }
0x136: {  	v11 =	vadd.s32 v0, v17;
	[tilespmem:v4+s15+$0x0] =	vst.idx.msk $0xffff, v5  }
0x137: {  	v4 =	vmul.f32 $8.000000000e+00, v7;
	v5 =	vld [tilespmem:s28+$0x50]  }
0x138: {  	v7 =	vmul.f32 $8.000000000e+00, v10  }
0x139: {  	[tilespmem:v12+s15+$0x0] =	vst.idx.msk $0xffff, v4;
	v4 =	vmul.f32 $8.000000000e+00, v6;
	v6 =	vadd.s32 v1, v9  }
0x13a: {  	[tilespmem:v13+s15+$0x0] =	vst.idx.msk $0xffff, v7;
	v10 =	vld [tilespmem:s28+$0xFFFFFF90]  }
0x13b: {  	v7 =	vld [tilespmem:s28+$0xFFFFFFD0];
	[tilespmem:v11+s15+$0x0] =	vst.idx.msk $0xffff, v4  }
0x13c: {  	v11 =	vld [tilespmem:s28+$0x10];
	v4 =	vmul.f32 $8.000000000e+00, v5  }
0x13d: {  	s29 =	simm.s32 $0x4;
	s24 =	simm.s32 $0x6580;
	s26 =	simm.s32 $0x7;
	v12 =	vadd.s32 v1, v15  }
0x13e: {  	v14 =	vld [tilespmem:s24+$0x40];
	v13 =	vadd.s32 v1, v17;
	v5 =	vmov s29;
	[tilespmem:v6+s15+$0x0] =	vst.idx.msk $0xffff, v4;
	v6 =	vmov s26  }
0x13f: {  	v16 =	vadd.s32 v1, v8;
	v4 =	vand.u32 $0x7C, v5;
	v5 =	vand.u32 $0x7F, v6;
	v18 =	vld [tilespmem:s28+$0x60]  }
0x140: {  	s30 =	simm.s32 $0x5;
	v22 =	vadd.s32 v2, v9;
	v19 =	vld [tilespmem:s24+$0xFFFFFF80];
	v6 =	vmul.f32 $8.000000000e+00, v7;
	v20 =	vadd.s32 v0, v5  }
0x141: {  	s31 =	simm.s32 $0x6;
	v21 =	vld [tilespmem:s24+$0xFFFFFFC0];
	v10 =	vmul.f32 $8.000000000e+00, v10;
	v7 =	vmul.f32 $8.000000000e+00, v11;
	v11 =	vmov s30  }
0x142: {  	v23 =	vadd.s32 v0, v4;
	[tilespmem:v12+s15+$0x0] =	vst.idx.msk $0xffff, v6;
	v12 =	vmov s31;
	v6 =	vand.u32 $0x7D, v11;
	v11 =	vld [tilespmem:s24+$0x0]  }
0x143: {  	[tilespmem:v13+s15+$0x0] =	vst.idx.msk $0xffff, v7;
	v13 =	vadd.s32 v0, v6;
	v7 =	vand.u32 $0x7E, v12;
	v12 =	vmul.f32 $8.000000000e+00, v14;
	v14 =	vld [tilespmem:s28+$0xFFFFFFE0]  }
0x144: {  	[tilespmem:v16+s15+$0x0] =	vst.idx.msk $0xffff, v10;
	v10 =	vadd.s32 v0, v7;
	v16 =	vld [tilespmem:s28+$0x20];
	v18 =	vmul.f32 $8.000000000e+00, v18  }
0x145: {  	v19 =	vmul.f32 $8.000000000e+00, v19;
	[tilespmem:v20+s15+$0x0] =	vst.idx.msk $0xffff, v12;
	v12 =	vld [tilespmem:s28+$0xFFFFFFA0];
	v20 =	vadd.s32 v2, v15  }
0x146: {  	v25 =	vadd.s32 v2, v17;
	v21 =	vmul.f32 $8.000000000e+00, v21;
	v24 =	vld [tilespmem:s24+$0x50];
	[tilespmem:v22+s15+$0x0] =	vst.idx.msk $0xffff, v18  }
0x147: {  	[tilespmem:v23+s15+$0x0] =	vst.idx.msk $0xffff, v19;
	v19 =	vadd.s32 v2, v8;
	v11 =	vmul.f32 $8.000000000e+00, v11;
	v22 =	vld [tilespmem:s28+$0x70]  }
0x148: {  	v23 =	vld [tilespmem:s24+$0xFFFFFF90];
	[tilespmem:v13+s15+$0x0] =	vst.idx.msk $0xffff, v21;
	v21 =	vadd.s32 v1, v5;
	v14 =	vmul.f32 $8.000000000e+00, v14  }
0x149: {  	v27 =	vadd.s32 v3, v9;
	v26 =	vld [tilespmem:s24+$0xFFFFFFD0];
	[tilespmem:v10+s15+$0x0] =	vst.idx.msk $0xffff, v11;
	v10 =	vmul.f32 $8.000000000e+00, v16  }
0x14a: {  	v18 =	vadd.s32 v1, v4;
	v13 =	vld [tilespmem:s24+$0x10];
	v9 =	vmul.f32 $8.000000000e+00, v12;
	[tilespmem:v20+s15+$0x0] =	vst.idx.msk $0xffff, v14  }
0x14b: {  	s26 =	simm.s32 $0x8;
	v16 =	vadd.s32 v1, v6;
	[tilespmem:v25+s15+$0x0] =	vst.idx.msk $0xffff, v10;
	v14 =	vmul.f32 $8.000000000e+00, v24;
	v12 =	vld [tilespmem:s28+$0xFFFFFFF0]  }
0x14c: {  	v20 =	vmov s26;
	v10 =	vadd.s32 v1, v7;
	v11 =	vld [tilespmem:s28+$0x30];
	[tilespmem:v19+s15+$0x0] =	vst.idx.msk $0xffff, v9;
	v63 =	vmul.f32 $8.000000000e+00, v22  }
0x14d: {  	s25 =	simm.s32 $0x6680;
	s29 =	simm.s32 $0xB;
	v15 =	vadd.s32 v3, v15;
	v9 =	vand.u32 $0x7C, v20;
	v20 =	vmul.f32 $8.000000000e+00, v23;
	[tilespmem:v21+s15+$0x0] =	vst.idx.msk $0xffff, v14;
	v14 =	vld [tilespmem:s28+$0xFFFFFFB0]  }
0x14e: {  	v17 =	vadd.s32 v3, v17;
	v22 =	vmov s29;
	v19 =	vld [tilespmem:s25+$0x40];
	s28 =	simm.s32 $0xC;
	v21 =	vmul.f32 $8.000000000e+00, v26;
	[tilespmem:v27+s15+$0x0] =	vst.idx.msk $0xffff, v63  }
.LBB2_11:
0x14f: {  	p0 =	slt.u32 s28, $0x7C;
	s29 =	sadd.s32 $0x1, s26;
	v22 =	vand.u32 $0x7F, v22;
	[tilespmem:v18+s15+$0x0] =	vst.idx.msk $0xffff, v20;
	v13 =	vmul.f32 $8.000000000e+00, v13;
	v18 =	vld [tilespmem:s24+$0x60];
	v20 =	vadd.s32 v3, v8;
	v8 =	vmovc v4  }
0x150: {  	v4 =	vmovc v9;
	v23 =	vld [tilespmem:s25+$0xFFFFFF80];
	v24 =	vmov s29;
	s29 =	sadd.s32 $0x2, s26;
	v25 =	vadd.s32 v0, v22;
	[tilespmem:v16+s15+$0x0] =	vst.idx.msk $0xffff, v21;
	v12 =	vmul.f32 $8.000000000e+00, v12;
	s26 =	smov.u32 s28  }
0x151: {  	v9 =	vld [tilespmem:s25+$0xFFFFFFC0];
	v16 =	vmov s29;
	[tilespmem:v10+s15+$0x0] =	vst.idx.msk $0xffff, v13;
	v10 =	vadd.s32 v2, v5;
	v11 =	vmul.f32 $8.000000000e+00, v11  }
0x152: {  	v13 =	vadd.s32 v0, v4;
	v21 =	vand.u32 $0x7D, v24;
	v24 =	vld [tilespmem:s25+$0x0];
	v14 =	vmul.f32 $8.000000000e+00, v14;
	[tilespmem:v15+s15+$0x0] =	vst.idx.msk $0xffff, v12  }
0x153: {  	v12 =	vadd.s32 v0, v21;
	v26 =	vand.u32 $0x7E, v16;
	v15 =	vmul.f32 $8.000000000e+00, v19;
	v16 =	vld [tilespmem:s24+$0xFFFFFFE0];
	[tilespmem:v17+s15+$0x0] =	vst.idx.msk $0xffff, v11  }
0x154: {  	v11 =	vadd.s32 v0, v26;
	v17 =	vld [tilespmem:s24+$0x20];
	v18 =	vmul.f32 $8.000000000e+00, v18;
	[tilespmem:v20+s15+$0x0] =	vst.idx.msk $0xffff, v14  }
0x155: {  	v19 =	vadd.s32 v2, v6;
	v14 =	vmul.f32 $8.000000000e+00, v23;
	[tilespmem:v25+s15+$0x0] =	vst.idx.msk $0xffff, v15;
	v15 =	vld [tilespmem:s24+$0xFFFFFFA0]  }
0x156: {  	v23 =	vadd.s32 v2, v7;
	v9 =	vmul.f32 $8.000000000e+00, v9;
	v20 =	vld [tilespmem:s25+$0x50];
	[tilespmem:v10+s15+$0x0] =	vst.idx.msk $0xffff, v18  }
0x157: {  	[tilespmem:v13+s15+$0x0] =	vst.idx.msk $0xffff, v14;
	v10 =	vmul.f32 $8.000000000e+00, v24;
	v14 =	vadd.s32 v2, v8;
	v24 =	vld [tilespmem:s24+$0x70]  }
0x158: {  	v27 =	vadd.s32 v1, v22;
	v25 =	vld [tilespmem:s25+$0xFFFFFF90];
	[tilespmem:v12+s15+$0x0] =	vst.idx.msk $0xffff, v9;
	v9 =	vmul.f32 $8.000000000e+00, v16  }
0x159: {  	v29 =	vadd.s32 v3, v5;
	v5 =	vmov v22;
	v28 =	vld [tilespmem:s25+$0xFFFFFFD0];
	[tilespmem:v11+s15+$0x0] =	vst.idx.msk $0xffff, v10;
	v10 =	vmul.f32 $8.000000000e+00, v17  }
.Ltmp6:
0x15a: {  	v18 =	vadd.s32 v1, v4;
	v13 =	vld [tilespmem:s25+$0x10];
	v11 =	vmul.f32 $8.000000000e+00, v15;
	[tilespmem:v19+s15+$0x0] =	vst.idx.msk $0xffff, v9;
	(pc) =	sbr.rel @p0 .LBB2_11-.Ltmp6, $4  }
0x15b: {  	v16 =	vadd.s32 v1, v21;
	v15 =	vmul.f32 $8.000000000e+00, v20;
	v12 =	vld [tilespmem:s24+$0xFFFFFFF0];
	[tilespmem:v23+s15+$0x0] =	vst.idx.msk $0xffff, v10  }
0x15c: {  	v9 =	vmov s28;
	v10 =	vadd.s32 v1, v26;
	[tilespmem:v14+s15+$0x0] =	vst.idx.msk $0xffff, v11;
	v11 =	vld [tilespmem:s24+$0x30];
	v23 =	vmul.f32 $8.000000000e+00, v24  }
0x15d: {  	s29 =	sadd.s32 $0x3, s28;
	v9 =	vand.u32 $0x7C, v9;
	v20 =	vmul.f32 $8.000000000e+00, v25;
	[tilespmem:v27+s15+$0x0] =	vst.idx.msk $0xffff, v15;
	v14 =	vld [tilespmem:s24+$0xFFFFFFB0];
	v15 =	vadd.s32 v3, v6;
	v6 =	vmovc v21;
	s24 =	smov.u32 s25;
	s25 =	sadd.s32 $0x100, s25  }
0x15e: {  	v22 =	vmov s29;
	v17 =	vadd.s32 v3, v7;
	v7 =	vmovc v26;
	s28 =	sadd.s32 $0x4, s28;
	v19 =	vld [tilespmem:s25+$0x40];
	v21 =	vmul.f32 $8.000000000e+00, v28;
	[tilespmem:v29+s15+$0x0] =	vst.idx.msk $0xffff, v23  }
0x15f: {  	s28 =	sadd.s32 $0x1, s26;
	v22 =	vand.u32 $0x7F, v22;
	v28 =	vld [tilespmem:s25+$0xFFFFFF80]  }
0x160: {  	s31 =	sadd.s32 $0x2, s26;
	v24 =	vld [tilespmem:s25+$0xFFFFFFC0];
	v23 =	vmov s28;
	v25 =	vadd.s32 v0, v22  }
0x161: {  	v27 =	vld [tilespmem:s25+$0x0];
	v51 =	vadd.s32 v0, v9;
	v26 =	vmov s31;
	v23 =	vand.u32 $0x7D, v23  }
0x162: {  	v26 =	vand.u32 $0x7E, v26;
	v29 =	vadd.s32 v0, v23  }
0x163: {  	[tilespmem:v18+s15+$0x0] =	vst.idx.msk $0xffff, v20;
	v30 =	vadd.s32 v0, v26;
	v19 =	vmul.f32 $8.000000000e+00, v19  }
0x164: {  	[tilespmem:v16+s15+$0x0] =	vst.idx.msk $0xffff, v21;
	v54 =	vmul.f32 $8.000000000e+00, v28  }
0x165: {  	v52 =	vmul.f32 $8.000000000e+00, v24;
	[tilespmem:v25+s15+$0x0] =	vst.idx.msk $0xffff, v19  }
0x166: {  	v53 =	vmul.f32 $8.000000000e+00, v27;
	v55 =	vld [tilespmem:s25+$0x50];
	[tilespmem:v51+s15+$0x0] =	vst.idx.msk $0xffff, v54  }
0x167: {  	v13 =	vmul.f32 $8.000000000e+00, v13;
	v8 =	vadd.s32 v3, v8;
	[tilespmem:v29+s15+$0x0] =	vst.idx.msk $0xffff, v52;
	v59 =	vld [tilespmem:s25+$0xFFFFFF90]  }
0x168: {  	v12 =	vmul.f32 $8.000000000e+00, v12;
	v57 =	vadd.s32 v1, v22;
	[tilespmem:v30+s15+$0x0] =	vst.idx.msk $0xffff, v53;
	v56 =	vld [tilespmem:s25+$0xFFFFFFD0]  }
0x169: {  	[tilespmem:v10+s15+$0x0] =	vst.idx.msk $0xffff, v13;
	v58 =	vmul.f32 $8.000000000e+00, v11;
	v28 =	vadd.s32 v1, v9;
	v19 =	vld [tilespmem:s25+$0x10]  }
0x16a: {  	v61 =	vld [tilespmem:s24+$0x60];
	v60 =	vadd.s32 v1, v23;
	v14 =	vmul.f32 $8.000000000e+00, v14;
	[tilespmem:v15+s15+$0x0] =	vst.idx.msk $0xffff, v12  }
0x16b: {  	v32 =	vld [tilespmem:s24+$0xFFFFFFA0];
	v62 =	vadd.s32 v1, v26;
	[tilespmem:v17+s15+$0x0] =	vst.idx.msk $0xffff, v58;
	v16 =	vmul.f32 $8.000000000e+00, v55  }
0x16c: {  	[tilespmem:v8+s15+$0x0] =	vst.idx.msk $0xffff, v14;
	v29 =	vadd.s32 v2, v5;
	v30 =	vld [tilespmem:s24+$0x20];
	v11 =	vmul.f32 $8.000000000e+00, v59  }
0x16d: {  	v38 =	vadd.s32 v2, v4;
	v63 =	vld [tilespmem:s24+$0xFFFFFFE0];
	v31 =	vmul.f32 $8.000000000e+00, v56;
	[tilespmem:v57+s15+$0x0] =	vst.idx.msk $0xffff, v16  }
0x16e: {  	v35 =	vadd.s32 v2, v7;
	v34 =	vmul.f32 $8.000000000e+00, v19;
	v36 =	vld [tilespmem:s25+$0x60];
	[tilespmem:v28+s15+$0x0] =	vst.idx.msk $0xffff, v11  }
0x16f: {  	v33 =	vadd.s32 v2, v6;
	v37 =	vmul.f32 $8.000000000e+00, v61;
	[tilespmem:v60+s15+$0x0] =	vst.idx.msk $0xffff, v31;
	v43 =	vld [tilespmem:s25+$0xFFFFFFA0]  }
0x170: {  	v40 =	vadd.s32 v2, v22;
	v14 =	vmul.f32 $8.000000000e+00, v32;
	[tilespmem:v62+s15+$0x0] =	vst.idx.msk $0xffff, v34;
	v39 =	vld [tilespmem:s25+$0xFFFFFFE0]  }
0x171: {  	v48 =	vadd.s32 v2, v9;
	[tilespmem:v29+s15+$0x0] =	vst.idx.msk $0xffff, v37;
	v42 =	vmul.f32 $8.000000000e+00, v30;
	v41 =	vld [tilespmem:s25+$0x20]  }
0x172: {  	v44 =	vadd.s32 v2, v23;
	v15 =	vmul.f32 $8.000000000e+00, v63;
	[tilespmem:v38+s15+$0x0] =	vst.idx.msk $0xffff, v14;
	v45 =	vld [tilespmem:s24+$0x70]  }
0x173: {  	v46 =	vadd.s32 v2, v26;
	v14 =	vld [tilespmem:s24+$0xFFFFFFB0];
	[tilespmem:v35+s15+$0x0] =	vst.idx.msk $0xffff, v42;
	v47 =	vmul.f32 $8.000000000e+00, v36  }
0x174: {  	v5 =	vadd.s32 v3, v5;
	[tilespmem:v33+s15+$0x0] =	vst.idx.msk $0xffff, v15;
	v49 =	vld [tilespmem:s24+$0x30];
	v53 =	vmul.f32 $8.000000000e+00, v43  }
0x175: {  	v4 =	vadd.s32 v3, v4;
	v21 =	vld [tilespmem:s24+$0xFFFFFFF0];
	v12 =	vmul.f32 $8.000000000e+00, v39;
	[tilespmem:v40+s15+$0x0] =	vst.idx.msk $0xffff, v47  }
0x176: {  	v52 =	vadd.s32 v3, v7;
	v51 =	vmul.f32 $8.000000000e+00, v41;
	v10 =	vld [tilespmem:s25+$0x70];
	[tilespmem:v48+s15+$0x0] =	vst.idx.msk $0xffff, v53  }
0x177: {  	v50 =	vadd.s32 v3, v6;
	v54 =	vmul.f32 $8.000000000e+00, v45;
	[tilespmem:v44+s15+$0x0] =	vst.idx.msk $0xffff, v12;
	v59 =	vld [tilespmem:s25+$0xFFFFFFB0]  }
0x178: {  	v57 =	vadd.s32 v3, v22;
	v14 =	vmul.f32 $8.000000000e+00, v14;
	[tilespmem:v46+s15+$0x0] =	vst.idx.msk $0xffff, v51;
	v55 =	vld [tilespmem:s25+$0xFFFFFFF0]  }
0x179: {  	v62 =	vadd.s32 v3, v9;
	[tilespmem:v5+s15+$0x0] =	vst.idx.msk $0xffff, v54;
	v5 =	vmul.f32 $8.000000000e+00, v49;
	v58 =	vld [tilespmem:s25+$0x30]  }
0x17a: {  	v56 =	vmul.f32 $8.000000000e+00, v21;
	v60 =	vadd.s32 v3, v23;
	[tilespmem:v4+s15+$0x0] =	vst.idx.msk $0xffff, v14  }
0x17b: {  	v61 =	vadd.s32 v3, v26;
	s24 =	sshll.u32 s23, $0x1;
	[tilespmem:v52+s15+$0x0] =	vst.idx.msk $0xffff, v5;
	v5 =	vmul.f32 $8.000000000e+00, v10  }
0x17c: {  	[tilespmem:v50+s15+$0x0] =	vst.idx.msk $0xffff, v56;
	s26 =	sadd.s32 s5, s24;
	v63 =	vmul.f32 $8.000000000e+00, v59  }
0x17d: {  	s31 =	sshll.u32 s26, $0x7;
	v4 =	vmul.f32 $8.000000000e+00, v55;
	[tilespmem:v57+s15+$0x0] =	vst.idx.msk $0xffff, v5  }
0x17e: {  	s25 =	sshll.u32 s26, $0xA;
	s26 =	sand.u32 $0xF00, s31;
	v5 =	vmul.f32 $8.000000000e+00, v58;
	[tilespmem:v62+s15+$0x0] =	vst.idx.msk $0xffff, v63  }
0x17f: {  	s25 =	sand.u32 $0xFFF8000, s25;
	s26 =	sadd.s32 s2, s26;
	[tilespmem:v60+s15+$0x0] =	vst.idx.msk $0xffff, v4  }
0x180: {  	s31 =	simm.s32 $0xA400;
	s26 =	sadd.s32 s25, s26;
	[tilespmem:v61+s15+$0x0] =	vst.idx.msk $0xffff, v5  }
0x181: {  	[hbm4b:s26+s3] =	stream.linear.scatter [tilespmem:s31], [sflag:$0x3], $0x80, $0x38;
	[tilespmem:$0xE800] =	vst v63  }
0x182: {  	s28 =	sadd.s32 $0x10, s26;
	s31 =	simm.s32 $0xA488  }
0x183: {  	[hbm4b:s28+s3] =	stream.linear.scatter [tilespmem:s31], [sflag:$0x3], $0x80, $0x38;
	[tilespmem:$0xE800] =	vst v63  }
0x184: {  	s31 =	simm.s32 $0xA510;
	s28 =	sadd.s32 $0x20, s26  }
0x185: {  	[hbm4b:s28+s3] =	stream.linear.scatter [tilespmem:s31], [sflag:$0x3], $0x80, $0x38;
	[tilespmem:$0xE800] =	vst v63  }
0x186: {  	s31 =	simm.s32 $0xA598;
	s28 =	sadd.s32 $0x30, s26  }
0x187: {  	[hbm4b:s28+s3] =	stream.linear.scatter [tilespmem:s31], [sflag:$0x3], $0x80, $0x38;
	[tilespmem:$0xE800] =	vst v63  }
0x188: {  	s31 =	simm.s32 $0xA620;
	s28 =	sadd.s32 $0x40, s26  }
0x189: {  	[hbm4b:s28+s3] =	stream.linear.scatter [tilespmem:s31], [sflag:$0x3], $0x80, $0x38;
	[tilespmem:$0xE800] =	vst v63  }
0x18a: {  	s29 =	simm.s32 $0xA7B8;
	s31 =	simm.s32 $0xA6A8;
	s28 =	sadd.s32 $0x50, s26  }
0x18b: {  	[hbm4b:s28+s3] =	stream.linear.scatter [tilespmem:s31], [sflag:$0x3], $0x80, $0x38;
	[tilespmem:$0xE800] =	vst v63  }
0x18c: {  	s25 =	simm.s32 $0x440;
	s31 =	simm.s32 $0xA730;
	s28 =	sadd.s32 $0x60, s26  }
0x18d: {  	[hbm4b:s28+s3] =	stream.linear.scatter [tilespmem:s31], [sflag:$0x3], $0x80, $0x38;
	[tilespmem:$0xE800] =	vst v63  }
0x18e: {  	s30 =	sadd.s32 $0x70, s26;
	s26 =	sadd.s32 $0x1000, s26;
	s28 =	simm.s32 $0x2200  }
.LBB2_13:
0x18f: {  	[hbm4b:s30+s3] =	stream.linear.scatter [tilespmem:s29], [sflag:$0x3], $0x80, $0x38;
	[tilespmem:$0xE800] =	vst v63  }
0x190: {  	s29 =	smov.u32 s25;
	s25 =	smov.u32 s28  }
0x191: {  	s31 =	sadd.s32 $0x1100, s28;
	s25 =	sshra.s32 s25, $0x2;
	s30 =	sadd.s32 $0xA400, s29  }
0x192: {  	[hbm4b:s26+s3] =	stream.linear.scatter [tilespmem:s30], [sflag:$0x3], $0x80, $0x38;
	[tilespmem:$0xE800] =	vst v63  }
0x193: {  	p0 =	sne.s32 s28, $0x7700;
	s28 =	sadd.s32 $0xA488, s29;
	s30 =	sadd.s32 $0x10, s26  }
0x194: {  	[hbm4b:s30+s3] =	stream.linear.scatter [tilespmem:s28], [sflag:$0x3], $0x80, $0x38;
	[tilespmem:$0xE800] =	vst v63  }
0x195: {  	s28 =	sadd.s32 $0xA510, s29;
	s30 =	sadd.s32 $0x20, s26  }
0x196: {  	[hbm4b:s30+s3] =	stream.linear.scatter [tilespmem:s28], [sflag:$0x3], $0x80, $0x38;
	[tilespmem:$0xE800] =	vst v63  }
0x197: {  	s28 =	sadd.s32 $0xA598, s29;
	s30 =	sadd.s32 $0x30, s26  }
0x198: {  	[hbm4b:s30+s3] =	stream.linear.scatter [tilespmem:s28], [sflag:$0x3], $0x80, $0x38;
	[tilespmem:$0xE800] =	vst v63  }
0x199: {  	s28 =	sadd.s32 $0xA620, s29;
	s30 =	sadd.s32 $0x40, s26  }
0x19a: {  	[hbm4b:s30+s3] =	stream.linear.scatter [tilespmem:s28], [sflag:$0x3], $0x80, $0x38;
	[tilespmem:$0xE800] =	vst v63  }
.Ltmp7:
0x19b: {  	s28 =	sadd.s32 $0xA6A8, s29;
	s30 =	sadd.s32 $0x50, s26;
	(pc) =	sbr.rel @p0 .LBB2_13-.Ltmp7, $4  }
0x19c: {  	[hbm4b:s30+s3] =	stream.linear.scatter [tilespmem:s28], [sflag:$0x3], $0x80, $0x38;
	[tilespmem:$0xE800] =	vst v63  }
0x19d: {  	s28 =	sadd.s32 $0xA730, s29;
	s30 =	sadd.s32 $0x60, s26;
	s29 =	sadd.s32 $0xA7B8, s29  }
0x19e: {  	[hbm4b:s30+s3] =	stream.linear.scatter [tilespmem:s28], [sflag:$0x3], $0x80, $0x38;
	[tilespmem:$0xE800] =	vst v63  }
0x19f: {  	s30 =	sadd.s32 $0x70, s26;
	s26 =	sadd.s32 $0x1000, s26;
	s28 =	smov.u32 s31  }
0x1a0: {  	[hbm4b:s30+s3] =	stream.linear.scatter [tilespmem:s29], [sflag:$0x3], $0x80, $0x38;
	[tilespmem:$0xE800] =	vst v63  }
0x1a1: {  	s28 =	sadd.s32 $0xA400, s25  }
0x1a2: {  	[hbm4b:s26+s3] =	stream.linear.scatter [tilespmem:s28], [sflag:$0x3], $0x80, $0x38;
	[tilespmem:$0xE800] =	vst v63  }
0x1a3: {  	s29 =	sadd.s32 $0x10, s26;
	s28 =	sadd.s32 $0xA488, s25  }
0x1a4: {  	[hbm4b:s29+s3] =	stream.linear.scatter [tilespmem:s28], [sflag:$0x3], $0x80, $0x38;
	[tilespmem:$0xE800] =	vst v63  }
0x1a5: {  	s28 =	sadd.s32 $0xA510, s25;
	s29 =	sadd.s32 $0x20, s26  }
0x1a6: {  	[hbm4b:s29+s3] =	stream.linear.scatter [tilespmem:s28], [sflag:$0x3], $0x80, $0x38;
	[tilespmem:$0xE800] =	vst v63  }
0x1a7: {  	s28 =	sadd.s32 $0xA598, s25;
	s29 =	sadd.s32 $0x30, s26  }
0x1a8: {  	[hbm4b:s29+s3] =	stream.linear.scatter [tilespmem:s28], [sflag:$0x3], $0x80, $0x38;
	[tilespmem:$0xE800] =	vst v63  }
0x1a9: {  	s31 =	sadd.s32 $0xA7B8, s25;
	s28 =	sadd.s32 $0xA620, s25;
	s29 =	sadd.s32 $0x40, s26  }
0x1aa: {  	[hbm4b:s29+s3] =	stream.linear.scatter [tilespmem:s28], [sflag:$0x3], $0x80, $0x38;
	[tilespmem:$0xE800] =	vst v63  }
0x1ab: {  	p0 =	seq.s32 s23, $0x63;
	s28 =	sadd.s32 $0xA6A8, s25;
	s29 =	sadd.s32 $0x50, s26  }
0x1ac: {  	[hbm4b:s29+s3] =	stream.linear.scatter [tilespmem:s28], [sflag:$0x3], $0x80, $0x38;
	[tilespmem:$0xE800] =	vst v63  }
0x1ad: {  	s28 =	sadd.s32 $0xA730, s25;
	s29 =	sadd.s32 $0x60, s26;
	s25 =	sshll.u32 @!p0 s23, $0x8  }
0x1ae: {  	[hbm4b:s29+s3] =	stream.linear.scatter [tilespmem:s28], [sflag:$0x3], $0x80, $0x38;
	[tilespmem:$0xE800] =	vst v63  }
0x1af: {  	s30 =	sadd.s32 $0x70, s26;
	s25 =	sand.u32 @!p0 $0x3FFFFF00, s25  }
0x1b0: {  	[hbm4b:s30+s3] =	stream.linear.scatter [tilespmem:s31], [sflag:$0x3], $0x80, $0x38;
	[tilespmem:$0xE800] =	vst v63  }
0x1b1: {  	s26 =	simm.s32 @!p0 $0x80;
	s25 =	sadd.s32 @!p0 $0x100, s25;
	s28 =	simm.s32 @!p0 $0x6400  }
0x1b2: {  	[tilespmem:s28], [sflag:$0x1] =	stream.indirect.gather @!p0 [hbm4b:s4+s26], $0x40, s25, s26, $0xb8;
	[tilespmem:$0xE800] =	vst v63  }
0x1b3: {  	_ =	swait.ge [sflag:s17], $0x2000  }
0x1b4: {  	[sflag:s17] =	ssyncset.done $0x0  }
0x1b5: {  	[sflag:s17] =	ssyncadd.s32 $0xFFFFE000  }
0x1b6: {  	_ =	swait.ge [sflag:s21], $0x2000  }
0x1b7: {  	[sflag:s21] =	ssyncset.done $0x0  }
0x1b8: {  	s29 =	simm.s32 $0x84F0;
	s31 =	simm.s32 $0x3;
	[sflag:s21] =	ssyncadd.s32 $0xFFFFE000  }
0x1b9: {  	v4 =	vmov s31;
	v5 =	vld [tilespmem:s29+$0xFFFFFFD0]  }
0x1ba: {  	v9 =	vand.u32 $0x7F, v4  }
0x1bb: {  	s26 =	simm.s32 $0x0;
	v4 =	vadd.s32 v0, v9  }
0x1bc: {  	s30 =	simm.s32 $0x1;
	s31 =	simm.s32 $0x2;
	v6 =	vmov s26;
	v7 =	vld [tilespmem:s29+$0xFFFFFF10]  }
0x1bd: {  	v11 =	vmov s31;
	v8 =	vand.u32 $0x7C, v6;
	v6 =	vmov s30;
	v10 =	vld [tilespmem:s29+$0xFFFFFF50]  }
0x1be: {  	v12 =	vadd.s32 v0, v8;
	v15 =	vand.u32 $0x7D, v6;
	v6 =	vld [tilespmem:s29+$0xFFFFFF90];
	v5 =	vmul.f32 $8.000000000e+00, v5  }
0x1bf: {  	v17 =	vand.u32 $0x7E, v11;
	v13 =	vadd.s32 v0, v15  }
0x1c0: {  	v11 =	vadd.s32 v0, v17;
	[tilespmem:v4+s18+$0x0] =	vst.idx.msk $0xffff, v5  }
0x1c1: {  	v4 =	vmul.f32 $8.000000000e+00, v7;
	v5 =	vld [tilespmem:s29+$0xFFFFFFE0]  }
0x1c2: {  	v7 =	vmul.f32 $8.000000000e+00, v10  }
0x1c3: {  	[tilespmem:v12+s18+$0x0] =	vst.idx.msk $0xffff, v4;
	v4 =	vmul.f32 $8.000000000e+00, v6;
	v6 =	vadd.s32 v1, v9  }
0x1c4: {  	[tilespmem:v13+s18+$0x0] =	vst.idx.msk $0xffff, v7;
	v10 =	vld [tilespmem:s29+$0xFFFFFF20]  }
0x1c5: {  	v7 =	vld [tilespmem:s29+$0xFFFFFF60];
	[tilespmem:v11+s18+$0x0] =	vst.idx.msk $0xffff, v4  }
0x1c6: {  	v11 =	vld [tilespmem:s29+$0xFFFFFFA0];
	v4 =	vmul.f32 $8.000000000e+00, v5  }
0x1c7: {  	s28 =	simm.s32 $0x7;
	s25 =	simm.s32 $0x85F0;
	s30 =	simm.s32 $0x4;
	v12 =	vadd.s32 v1, v15  }
0x1c8: {  	v14 =	vld [tilespmem:s25+$0xFFFFFFD0];
	v13 =	vadd.s32 v1, v17;
	v5 =	vmov s30;
	[tilespmem:v6+s18+$0x0] =	vst.idx.msk $0xffff, v4;
	v6 =	vmov s28  }
0x1c9: {  	v16 =	vadd.s32 v1, v8;
	v4 =	vand.u32 $0x7C, v5;
	v5 =	vand.u32 $0x7F, v6;
	v18 =	vld [tilespmem:s29+$0xFFFFFFF0]  }
0x1ca: {  	s31 =	simm.s32 $0x5;
	v22 =	vadd.s32 v2, v9;
	v19 =	vld [tilespmem:s25+$0xFFFFFF10];
	v6 =	vmul.f32 $8.000000000e+00, v7;
	v20 =	vadd.s32 v0, v5  }
0x1cb: {  	v21 =	vld [tilespmem:s25+$0xFFFFFF50];
	s30 =	simm.s32 $0x6;
	v10 =	vmul.f32 $8.000000000e+00, v10;
	v7 =	vmul.f32 $8.000000000e+00, v11;
	v11 =	vmov s31  }
0x1cc: {  	v23 =	vadd.s32 v0, v4;
	[tilespmem:v12+s18+$0x0] =	vst.idx.msk $0xffff, v6;
	v12 =	vmov s30;
	v6 =	vand.u32 $0x7D, v11;
	v11 =	vld [tilespmem:s25+$0xFFFFFF90]  }
0x1cd: {  	[tilespmem:v13+s18+$0x0] =	vst.idx.msk $0xffff, v7;
	v13 =	vadd.s32 v0, v6;
	v7 =	vand.u32 $0x7E, v12;
	v12 =	vmul.f32 $8.000000000e+00, v14;
	v14 =	vld [tilespmem:s29+$0xFFFFFF70]  }
0x1ce: {  	[tilespmem:v16+s18+$0x0] =	vst.idx.msk $0xffff, v10;
	v10 =	vadd.s32 v0, v7;
	v16 =	vld [tilespmem:s29+$0xFFFFFFB0];
	v18 =	vmul.f32 $8.000000000e+00, v18  }
0x1cf: {  	v19 =	vmul.f32 $8.000000000e+00, v19;
	[tilespmem:v20+s18+$0x0] =	vst.idx.msk $0xffff, v12;
	v12 =	vld [tilespmem:s29+$0xFFFFFF30];
	v20 =	vadd.s32 v2, v15  }
0x1d0: {  	v25 =	vadd.s32 v2, v17;
	v21 =	vmul.f32 $8.000000000e+00, v21;
	v24 =	vld [tilespmem:s25+$0xFFFFFFE0];
	[tilespmem:v22+s18+$0x0] =	vst.idx.msk $0xffff, v18  }
0x1d1: {  	[tilespmem:v23+s18+$0x0] =	vst.idx.msk $0xffff, v19;
	v19 =	vadd.s32 v2, v8;
	v11 =	vmul.f32 $8.000000000e+00, v11;
	v22 =	vld [tilespmem:s29+$0x0]  }
0x1d2: {  	v23 =	vld [tilespmem:s25+$0xFFFFFF20];
	[tilespmem:v13+s18+$0x0] =	vst.idx.msk $0xffff, v21;
	v21 =	vadd.s32 v1, v5;
	v14 =	vmul.f32 $8.000000000e+00, v14  }
0x1d3: {  	v27 =	vadd.s32 v3, v9;
	v26 =	vld [tilespmem:s25+$0xFFFFFF60];
	[tilespmem:v10+s18+$0x0] =	vst.idx.msk $0xffff, v11;
	v10 =	vmul.f32 $8.000000000e+00, v16  }
0x1d4: {  	v18 =	vadd.s32 v1, v4;
	v13 =	vld [tilespmem:s25+$0xFFFFFFA0];
	v9 =	vmul.f32 $8.000000000e+00, v12;
	[tilespmem:v20+s18+$0x0] =	vst.idx.msk $0xffff, v14  }
0x1d5: {  	s28 =	simm.s32 $0x8;
	v16 =	vadd.s32 v1, v6;
	[tilespmem:v25+s18+$0x0] =	vst.idx.msk $0xffff, v10;
	v14 =	vmul.f32 $8.000000000e+00, v24;
	v12 =	vld [tilespmem:s29+$0xFFFFFF80]  }
0x1d6: {  	v20 =	vmov s28;
	v10 =	vadd.s32 v1, v7;
	v11 =	vld [tilespmem:s29+$0xFFFFFFC0];
	[tilespmem:v19+s18+$0x0] =	vst.idx.msk $0xffff, v9;
	v63 =	vmul.f32 $8.000000000e+00, v22  }
0x1d7: {  	s26 =	simm.s32 $0x86F0;
	s31 =	simm.s32 $0xB;
	v15 =	vadd.s32 v3, v15;
	v9 =	vand.u32 $0x7C, v20;
	v20 =	vmul.f32 $8.000000000e+00, v23;
	[tilespmem:v21+s18+$0x0] =	vst.idx.msk $0xffff, v14;
	v14 =	vld [tilespmem:s29+$0xFFFFFF40]  }
0x1d8: {  	v17 =	vadd.s32 v3, v17;
	v22 =	vmov s31;
	v19 =	vld [tilespmem:s26+$0xFFFFFFD0];
	s29 =	simm.s32 $0xC;
	v21 =	vmul.f32 $8.000000000e+00, v26;
	[tilespmem:v27+s18+$0x0] =	vst.idx.msk $0xffff, v63  }
.LBB2_15:
0x1d9: {  	p1 =	slt.u32 s29, $0x7C;
	s30 =	sadd.s32 $0x1, s28;
	v22 =	vand.u32 $0x7F, v22;
	[tilespmem:v18+s18+$0x0] =	vst.idx.msk $0xffff, v20;
	v13 =	vmul.f32 $8.000000000e+00, v13;
	v18 =	vld [tilespmem:s25+$0xFFFFFFF0];
	v20 =	vadd.s32 v3, v8;
	v8 =	vmovc v4  }
0x1da: {  	v4 =	vmovc v9;
	v23 =	vld [tilespmem:s26+$0xFFFFFF10];
	v24 =	vmov s30;
	s30 =	sadd.s32 $0x2, s28;
	v25 =	vadd.s32 v0, v22;
	[tilespmem:v16+s18+$0x0] =	vst.idx.msk $0xffff, v21;
	v12 =	vmul.f32 $8.000000000e+00, v12;
	s28 =	smov.u32 s29  }
0x1db: {  	v9 =	vld [tilespmem:s26+$0xFFFFFF50];
	v16 =	vmov s30;
	[tilespmem:v10+s18+$0x0] =	vst.idx.msk $0xffff, v13;
	v10 =	vadd.s32 v2, v5;
	v11 =	vmul.f32 $8.000000000e+00, v11  }
0x1dc: {  	v13 =	vadd.s32 v0, v4;
	v21 =	vand.u32 $0x7D, v24;
	v24 =	vld [tilespmem:s26+$0xFFFFFF90];
	v14 =	vmul.f32 $8.000000000e+00, v14;
	[tilespmem:v15+s18+$0x0] =	vst.idx.msk $0xffff, v12  }
0x1dd: {  	v12 =	vadd.s32 v0, v21;
	v26 =	vand.u32 $0x7E, v16;
	v15 =	vmul.f32 $8.000000000e+00, v19;
	v16 =	vld [tilespmem:s25+$0xFFFFFF70];
	[tilespmem:v17+s18+$0x0] =	vst.idx.msk $0xffff, v11  }
0x1de: {  	v11 =	vadd.s32 v0, v26;
	v17 =	vld [tilespmem:s25+$0xFFFFFFB0];
	v18 =	vmul.f32 $8.000000000e+00, v18;
	[tilespmem:v20+s18+$0x0] =	vst.idx.msk $0xffff, v14  }
0x1df: {  	v19 =	vadd.s32 v2, v6;
	v14 =	vmul.f32 $8.000000000e+00, v23;
	[tilespmem:v25+s18+$0x0] =	vst.idx.msk $0xffff, v15;
	v15 =	vld [tilespmem:s25+$0xFFFFFF30]  }
0x1e0: {  	v23 =	vadd.s32 v2, v7;
	v9 =	vmul.f32 $8.000000000e+00, v9;
	v20 =	vld [tilespmem:s26+$0xFFFFFFE0];
	[tilespmem:v10+s18+$0x0] =	vst.idx.msk $0xffff, v18  }
0x1e1: {  	[tilespmem:v13+s18+$0x0] =	vst.idx.msk $0xffff, v14;
	v10 =	vmul.f32 $8.000000000e+00, v24;
	v14 =	vadd.s32 v2, v8;
	v24 =	vld [tilespmem:s25+$0x0]  }
0x1e2: {  	v27 =	vadd.s32 v1, v22;
	v25 =	vld [tilespmem:s26+$0xFFFFFF20];
	[tilespmem:v12+s18+$0x0] =	vst.idx.msk $0xffff, v9;
	v9 =	vmul.f32 $8.000000000e+00, v16  }
0x1e3: {  	v29 =	vadd.s32 v3, v5;
	v5 =	vmov v22;
	v28 =	vld [tilespmem:s26+$0xFFFFFF60];
	[tilespmem:v11+s18+$0x0] =	vst.idx.msk $0xffff, v10;
	v10 =	vmul.f32 $8.000000000e+00, v17  }
.Ltmp8:
0x1e4: {  	v18 =	vadd.s32 v1, v4;
	v13 =	vld [tilespmem:s26+$0xFFFFFFA0];
	v11 =	vmul.f32 $8.000000000e+00, v15;
	[tilespmem:v19+s18+$0x0] =	vst.idx.msk $0xffff, v9;
	(pc) =	sbr.rel @p1 .LBB2_15-.Ltmp8, $4  }
0x1e5: {  	v16 =	vadd.s32 v1, v21;
	v15 =	vmul.f32 $8.000000000e+00, v20;
	v12 =	vld [tilespmem:s25+$0xFFFFFF80];
	[tilespmem:v23+s18+$0x0] =	vst.idx.msk $0xffff, v10  }
0x1e6: {  	v9 =	vmov s29;
	v10 =	vadd.s32 v1, v26;
	[tilespmem:v14+s18+$0x0] =	vst.idx.msk $0xffff, v11;
	v11 =	vld [tilespmem:s25+$0xFFFFFFC0];
	v23 =	vmul.f32 $8.000000000e+00, v24  }
0x1e7: {  	s30 =	sadd.s32 $0x3, s29;
	v9 =	vand.u32 $0x7C, v9;
	v20 =	vmul.f32 $8.000000000e+00, v25;
	[tilespmem:v27+s18+$0x0] =	vst.idx.msk $0xffff, v15;
	v14 =	vld [tilespmem:s25+$0xFFFFFF40];
	v15 =	vadd.s32 v3, v6;
	v6 =	vmovc v21;
	s25 =	smov.u32 s26;
	s26 =	sadd.s32 $0x100, s26  }
0x1e8: {  	v22 =	vmov s30;
	v17 =	vadd.s32 v3, v7;
	v7 =	vmovc v26;
	s29 =	sadd.s32 $0x4, s29;
	v19 =	vld [tilespmem:s26+$0xFFFFFFD0];
	v21 =	vmul.f32 $8.000000000e+00, v28;
	[tilespmem:v29+s18+$0x0] =	vst.idx.msk $0xffff, v23  }
0x1e9: {  	s29 =	sadd.s32 $0x1, s28;
	v22 =	vand.u32 $0x7F, v22;
	v28 =	vld [tilespmem:s26+$0xFFFFFF10]  }
0x1ea: {  	s28 =	sadd.s32 $0x2, s28;
	v24 =	vld [tilespmem:s26+$0xFFFFFF50];
	v23 =	vmov s29;
	v25 =	vadd.s32 v0, v22  }
0x1eb: {  	v27 =	vld [tilespmem:s26+$0xFFFFFF90];
	v51 =	vadd.s32 v0, v9;
	v26 =	vmov s28;
	v23 =	vand.u32 $0x7D, v23  }
0x1ec: {  	v26 =	vand.u32 $0x7E, v26;
	v29 =	vadd.s32 v0, v23  }
0x1ed: {  	[tilespmem:v18+s18+$0x0] =	vst.idx.msk $0xffff, v20;
	v30 =	vadd.s32 v0, v26;
	v19 =	vmul.f32 $8.000000000e+00, v19  }
0x1ee: {  	[tilespmem:v16+s18+$0x0] =	vst.idx.msk $0xffff, v21;
	v54 =	vmul.f32 $8.000000000e+00, v28  }
0x1ef: {  	v52 =	vmul.f32 $8.000000000e+00, v24;
	[tilespmem:v25+s18+$0x0] =	vst.idx.msk $0xffff, v19  }
0x1f0: {  	v53 =	vmul.f32 $8.000000000e+00, v27;
	v55 =	vld [tilespmem:s26+$0xFFFFFFE0];
	[tilespmem:v51+s18+$0x0] =	vst.idx.msk $0xffff, v54  }
0x1f1: {  	v13 =	vmul.f32 $8.000000000e+00, v13;
	v8 =	vadd.s32 v3, v8;
	[tilespmem:v29+s18+$0x0] =	vst.idx.msk $0xffff, v52;
	v59 =	vld [tilespmem:s26+$0xFFFFFF20]  }
0x1f2: {  	v12 =	vmul.f32 $8.000000000e+00, v12;
	v57 =	vadd.s32 v1, v22;
	[tilespmem:v30+s18+$0x0] =	vst.idx.msk $0xffff, v53;
	v56 =	vld [tilespmem:s26+$0xFFFFFF60]  }
0x1f3: {  	[tilespmem:v10+s18+$0x0] =	vst.idx.msk $0xffff, v13;
	v58 =	vmul.f32 $8.000000000e+00, v11;
	v28 =	vadd.s32 v1, v9;
	v19 =	vld [tilespmem:s26+$0xFFFFFFA0]  }
0x1f4: {  	v61 =	vld [tilespmem:s25+$0xFFFFFFF0];
	v60 =	vadd.s32 v1, v23;
	v14 =	vmul.f32 $8.000000000e+00, v14;
	[tilespmem:v15+s18+$0x0] =	vst.idx.msk $0xffff, v12  }
0x1f5: {  	v32 =	vld [tilespmem:s25+$0xFFFFFF30];
	v62 =	vadd.s32 v1, v26;
	[tilespmem:v17+s18+$0x0] =	vst.idx.msk $0xffff, v58;
	v16 =	vmul.f32 $8.000000000e+00, v55  }
0x1f6: {  	[tilespmem:v8+s18+$0x0] =	vst.idx.msk $0xffff, v14;
	v29 =	vadd.s32 v2, v5;
	v30 =	vld [tilespmem:s25+$0xFFFFFFB0];
	v11 =	vmul.f32 $8.000000000e+00, v59  }
0x1f7: {  	v38 =	vadd.s32 v2, v4;
	v63 =	vld [tilespmem:s25+$0xFFFFFF70];
	v31 =	vmul.f32 $8.000000000e+00, v56;
	[tilespmem:v57+s18+$0x0] =	vst.idx.msk $0xffff, v16  }
0x1f8: {  	v35 =	vadd.s32 v2, v7;
	v34 =	vmul.f32 $8.000000000e+00, v19;
	v36 =	vld [tilespmem:s26+$0xFFFFFFF0];
	[tilespmem:v28+s18+$0x0] =	vst.idx.msk $0xffff, v11  }
0x1f9: {  	v33 =	vadd.s32 v2, v6;
	v37 =	vmul.f32 $8.000000000e+00, v61;
	[tilespmem:v60+s18+$0x0] =	vst.idx.msk $0xffff, v31;
	v43 =	vld [tilespmem:s26+$0xFFFFFF30]  }
0x1fa: {  	v40 =	vadd.s32 v2, v22;
	v14 =	vmul.f32 $8.000000000e+00, v32;
	[tilespmem:v62+s18+$0x0] =	vst.idx.msk $0xffff, v34;
	v39 =	vld [tilespmem:s26+$0xFFFFFF70]  }
0x1fb: {  	v48 =	vadd.s32 v2, v9;
	[tilespmem:v29+s18+$0x0] =	vst.idx.msk $0xffff, v37;
	v42 =	vmul.f32 $8.000000000e+00, v30;
	v41 =	vld [tilespmem:s26+$0xFFFFFFB0]  }
0x1fc: {  	v44 =	vadd.s32 v2, v23;
	v15 =	vmul.f32 $8.000000000e+00, v63;
	[tilespmem:v38+s18+$0x0] =	vst.idx.msk $0xffff, v14;
	v45 =	vld [tilespmem:s25+$0x0]  }
0x1fd: {  	v46 =	vadd.s32 v2, v26;
	v14 =	vld [tilespmem:s25+$0xFFFFFF40];
	[tilespmem:v35+s18+$0x0] =	vst.idx.msk $0xffff, v42;
	v47 =	vmul.f32 $8.000000000e+00, v36  }
0x1fe: {  	v5 =	vadd.s32 v3, v5;
	[tilespmem:v33+s18+$0x0] =	vst.idx.msk $0xffff, v15;
	v49 =	vld [tilespmem:s25+$0xFFFFFFC0];
	v53 =	vmul.f32 $8.000000000e+00, v43  }
0x1ff: {  	v4 =	vadd.s32 v3, v4;
	v21 =	vld [tilespmem:s25+$0xFFFFFF80];
	v12 =	vmul.f32 $8.000000000e+00, v39;
	[tilespmem:v40+s18+$0x0] =	vst.idx.msk $0xffff, v47  }
0x200: {  	v52 =	vadd.s32 v3, v7;
	v51 =	vmul.f32 $8.000000000e+00, v41;
	v10 =	vld [tilespmem:s26+$0x0];
	[tilespmem:v48+s18+$0x0] =	vst.idx.msk $0xffff, v53  }
0x201: {  	v50 =	vadd.s32 v3, v6;
	v54 =	vmul.f32 $8.000000000e+00, v45;
	[tilespmem:v44+s18+$0x0] =	vst.idx.msk $0xffff, v12;
	v59 =	vld [tilespmem:s26+$0xFFFFFF40]  }
0x202: {  	v57 =	vadd.s32 v3, v22;
	v14 =	vmul.f32 $8.000000000e+00, v14;
	[tilespmem:v46+s18+$0x0] =	vst.idx.msk $0xffff, v51;
	v55 =	vld [tilespmem:s26+$0xFFFFFF80]  }
0x203: {  	v62 =	vadd.s32 v3, v9;
	[tilespmem:v5+s18+$0x0] =	vst.idx.msk $0xffff, v54;
	v5 =	vmul.f32 $8.000000000e+00, v49;
	v58 =	vld [tilespmem:s26+$0xFFFFFFC0]  }
0x204: {  	v56 =	vmul.f32 $8.000000000e+00, v21;
	v60 =	vadd.s32 v3, v23;
	[tilespmem:v4+s18+$0x0] =	vst.idx.msk $0xffff, v14  }
0x205: {  	s24 =	sadd.s32 s24, s5;
	v61 =	vadd.s32 v3, v26;
	[tilespmem:v52+s18+$0x0] =	vst.idx.msk $0xffff, v5;
	v5 =	vmul.f32 $8.000000000e+00, v10  }
0x206: {  	s24 =	sadd.s32 $0x1, s24;
	[tilespmem:v50+s18+$0x0] =	vst.idx.msk $0xffff, v56;
	v63 =	vmul.f32 $8.000000000e+00, v59  }
0x207: {  	s31 =	sshll.u32 s24, $0x7;
	v4 =	vmul.f32 $8.000000000e+00, v55;
	[tilespmem:v57+s18+$0x0] =	vst.idx.msk $0xffff, v5  }
0x208: {  	s24 =	sshll.u32 s24, $0xA;
	s25 =	sand.u32 $0xF80, s31;
	v5 =	vmul.f32 $8.000000000e+00, v58;
	[tilespmem:v62+s18+$0x0] =	vst.idx.msk $0xffff, v63  }
0x209: {  	s24 =	sand.u32 $0xFFF8000, s24;
	s25 =	sadd.s32 s2, s25;
	[tilespmem:v60+s18+$0x0] =	vst.idx.msk $0xffff, v4  }
0x20a: {  	s25 =	sadd.s32 s24, s25;
	s26 =	simm.s32 $0xC600;
	[tilespmem:v61+s18+$0x0] =	vst.idx.msk $0xffff, v5  }
0x20b: {  	[hbm4b:s25+s3] =	stream.linear.scatter [tilespmem:s26], [sflag:$0x4], $0x80, $0x38;
	[tilespmem:$0xE800] =	vst v63  }
0x20c: {  	s30 =	simm.s32 $0xC688;
	s31 =	sadd.s32 $0x10, s25  }
0x20d: {  	[hbm4b:s31+s3] =	stream.linear.scatter [tilespmem:s30], [sflag:$0x4], $0x80, $0x38;
	[tilespmem:$0xE800] =	vst v63  }
0x20e: {  	s28 =	simm.s32 $0xC9B8;
	s30 =	simm.s32 $0xC710;
	s31 =	sadd.s32 $0x20, s25  }
0x20f: {  	[hbm4b:s31+s3] =	stream.linear.scatter [tilespmem:s30], [sflag:$0x4], $0x80, $0x38;
	[tilespmem:$0xE800] =	vst v63  }
0x210: {  	s24 =	simm.s32 $0x440;
	s30 =	simm.s32 $0xC798;
	s31 =	sadd.s32 $0x30, s25  }
0x211: {  	[hbm4b:s31+s3] =	stream.linear.scatter [tilespmem:s30], [sflag:$0x4], $0x80, $0x38;
	[tilespmem:$0xE800] =	vst v63  }
0x212: {  	s29 =	sadd.s32 $0x70, s25;
	s30 =	simm.s32 $0xC820;
	s31 =	sadd.s32 $0x40, s25  }
0x213: {  	[hbm4b:s31+s3] =	stream.linear.scatter [tilespmem:s30], [sflag:$0x4], $0x80, $0x38;
	[tilespmem:$0xE800] =	vst v63  }
0x214: {  	s26 =	simm.s32 $0x2200;
	s30 =	simm.s32 $0xC8A8;
	s31 =	sadd.s32 $0x50, s25  }
0x215: {  	[hbm4b:s31+s3] =	stream.linear.scatter [tilespmem:s30], [sflag:$0x4], $0x80, $0x38;
	[tilespmem:$0xE800] =	vst v63  }
0x216: {  	s30 =	simm.s32 $0xC930;
	s31 =	sadd.s32 $0x60, s25;
	s25 =	sadd.s32 $0x1000, s25  }
0x217: {  	[hbm4b:s31+s3] =	stream.linear.scatter [tilespmem:s30], [sflag:$0x4], $0x80, $0x38;
	[tilespmem:$0xE800] =	vst v63  }
.LBB2_17:
0x218: {  	[hbm4b:s29+s3] =	stream.linear.scatter [tilespmem:s28], [sflag:$0x4], $0x80, $0x38;
	[tilespmem:$0xE800] =	vst v63  }
0x219: {  	s28 =	smov.u32 s24;
	s24 =	smov.u32 s26  }
0x21a: {  	s30 =	sadd.s32 $0x1100, s26;
	s24 =	sshra.s32 s24, $0x2;
	s29 =	sadd.s32 $0xC600, s28  }
0x21b: {  	[hbm4b:s25+s3] =	stream.linear.scatter [tilespmem:s29], [sflag:$0x4], $0x80, $0x38;
	[tilespmem:$0xE800] =	vst v63  }
0x21c: {  	p1 =	sne.s32 s26, $0x7700;
	s26 =	sadd.s32 $0xC688, s28;
	s29 =	sadd.s32 $0x10, s25  }
0x21d: {  	[hbm4b:s29+s3] =	stream.linear.scatter [tilespmem:s26], [sflag:$0x4], $0x80, $0x38;
	[tilespmem:$0xE800] =	vst v63  }
0x21e: {  	s26 =	sadd.s32 $0xC710, s28;
	s29 =	sadd.s32 $0x20, s25  }
0x21f: {  	[hbm4b:s29+s3] =	stream.linear.scatter [tilespmem:s26], [sflag:$0x4], $0x80, $0x38;
	[tilespmem:$0xE800] =	vst v63  }
0x220: {  	s26 =	sadd.s32 $0xC798, s28;
	s29 =	sadd.s32 $0x30, s25  }
0x221: {  	[hbm4b:s29+s3] =	stream.linear.scatter [tilespmem:s26], [sflag:$0x4], $0x80, $0x38;
	[tilespmem:$0xE800] =	vst v63  }
0x222: {  	s26 =	sadd.s32 $0xC820, s28;
	s29 =	sadd.s32 $0x40, s25  }
0x223: {  	[hbm4b:s29+s3] =	stream.linear.scatter [tilespmem:s26], [sflag:$0x4], $0x80, $0x38;
	[tilespmem:$0xE800] =	vst v63  }
.Ltmp9:
0x224: {  	s26 =	sadd.s32 $0xC8A8, s28;
	s29 =	sadd.s32 $0x50, s25;
	(pc) =	sbr.rel @p1 .LBB2_17-.Ltmp9, $4  }
0x225: {  	[hbm4b:s29+s3] =	stream.linear.scatter [tilespmem:s26], [sflag:$0x4], $0x80, $0x38;
	[tilespmem:$0xE800] =	vst v63  }
0x226: {  	s26 =	sadd.s32 $0xC930, s28;
	s29 =	sadd.s32 $0x60, s25;
	s28 =	sadd.s32 $0xC9B8, s28  }
0x227: {  	[hbm4b:s29+s3] =	stream.linear.scatter [tilespmem:s26], [sflag:$0x4], $0x80, $0x38;
	[tilespmem:$0xE800] =	vst v63  }
0x228: {  	s29 =	sadd.s32 $0x70, s25;
	s25 =	sadd.s32 $0x1000, s25;
	s26 =	smov.u32 s30  }
0x229: {  	[hbm4b:s29+s3] =	stream.linear.scatter [tilespmem:s28], [sflag:$0x4], $0x80, $0x38;
	[tilespmem:$0xE800] =	vst v63  }
0x22a: {  	s26 =	sadd.s32 $0xC600, s24  }
0x22b: {  	[hbm4b:s25+s3] =	stream.linear.scatter [tilespmem:s26], [sflag:$0x4], $0x80, $0x38;
	[tilespmem:$0xE800] =	vst v63  }
0x22c: {  	s30 =	sadd.s32 $0xC688, s24;
	s31 =	sadd.s32 $0x10, s25  }
0x22d: {  	[hbm4b:s31+s3] =	stream.linear.scatter [tilespmem:s30], [sflag:$0x4], $0x80, $0x38;
	[tilespmem:$0xE800] =	vst v63  }
0x22e: {  	s29 =	sadd.s32 $0xC710, s24;
	s30 =	sadd.s32 $0x20, s25  }
0x22f: {  	[hbm4b:s30+s3] =	stream.linear.scatter [tilespmem:s29], [sflag:$0x4], $0x80, $0x38;
	[tilespmem:$0xE800] =	vst v63  }
0x230: {  	s31 =	sadd.s32 $0xC798, s24;
	s29 =	sadd.s32 $0x30, s25  }
0x231: {  	[hbm4b:s29+s3] =	stream.linear.scatter [tilespmem:s31], [sflag:$0x4], $0x80, $0x38;
	[tilespmem:$0xE800] =	vst v63  }
0x232: {  	s30 =	sadd.s32 $0xC820, s24;
	s31 =	sadd.s32 $0x40, s25  }
0x233: {  	[hbm4b:s31+s3] =	stream.linear.scatter [tilespmem:s30], [sflag:$0x4], $0x80, $0x38;
	[tilespmem:$0xE800] =	vst v63  }
0x234: {  	s29 =	sadd.s32 $0xC8A8, s24;
	s30 =	sadd.s32 $0x50, s25  }
0x235: {  	[hbm4b:s30+s3] =	stream.linear.scatter [tilespmem:s29], [sflag:$0x4], $0x80, $0x38;
	[tilespmem:$0xE800] =	vst v63  }
.Ltmp10:
0x236: {  	_ = 	snop;
	(pc) =	sbr.rel @p0 .LBB2_20-.Ltmp10, $4  }
0x237: {  	s31 =	sadd.s32 $0xC930, s24;
	s29 =	sadd.s32 $0x60, s25  }
0x238: {  	[hbm4b:s29+s3] =	stream.linear.scatter [tilespmem:s31], [sflag:$0x4], $0x80, $0x38;
	[tilespmem:$0xE800] =	vst v63  }
0x239: {  	s30 =	sadd.s32 $0xC9B8, s24;
	s31 =	sadd.s32 $0x70, s25  }
0x23a: {  	[hbm4b:s31+s3] =	stream.linear.scatter [tilespmem:s30], [sflag:$0x4], $0x80, $0x38;
	[tilespmem:$0xE800] =	vst v63  }
.Ltmp11:
0x23b: {  	(pc) =	sbr.rel .LBB2_10-.Ltmp11, $4  }
0x23c: {  	s24 =	sshll.u32 s23, $0x8  }
0x23d: {  	s24 =	sand.u32 $0x3FFFFF00, s24  }
0x23e: {  	s23 =	sadd.s32 $0x1, s23;
	s24 =	sadd.s32 $0x180, s24  }
0x23f: {  	[tilespmem:s13], [sflag:$0x2] =	stream.indirect.gather [hbm4b:s4+s11], $0x40, s24, s11, $0xb8;
	[tilespmem:$0xE800] =	vst v63  }
.LBB2_21:
0x240: {  	_ =	sfence.sel $0x180000  }
0x241: {  	[bflag:$0x0] =	sbarrier.arrive $0xFFFF  }
0x242: {  	p0 =	sne.s32 s0, $0x0;
	_ =	strace $0x90000047  }
0x243: {  	s0 =	sadd.s32 @!p0 $0x100000, s1;
	[bflag:$0x2] =	sbarrier.arrive $0xFFFF  }
0x244: {  	[sflag:s0] =	ssyncadd.tile.s32 @!p0 $0x1;
	_ =	shalt  }
.Lfunc_end2:
_tile_overlayer_lowered:
.L_overlay_start_2:
0x245: {  	(tag) =	ssettag $0x2  }
0x246: {  	s0 =	rddreg [dreg:$0x0];
	s2 =	stileid.u32  }
0x247: {  	s1 =	rddreg [dreg:$0x1];
	p0 =	sne.s32 s2, $0x0  }
0x248: {  	s3 =	rddreg [dreg:$0x2];
	[bflag:$0x3] =	sbarrier.arrive $0xFFFF;
	s2 =	simm.s32 @!p0 $0x1C05  }
0x249: {  	[timem:s3], [sflag:s2] =	dma.local @!p0 [hbm:s0], s1  }
0x24a: {  	s0 =	simm.s32 @!p0 $0x5  }
0x24b: {  	_ =	swait.ge @!p0 [sflag:s0], s1  }
0x24c: {  	s1 =	ssub.s32 @!p0 $0x0, s1;
	[sflag:s0] =	ssyncset.done @!p0 $0x0  }
0x24d: {  	[sflag:s0] =	ssyncadd.s32 @!p0 s1  }
0x24e: {  	[bflag:$0x3] =	sbarrier.arrive $0xFFFF  }
0x24f: {  	_ =	shalt  }

</sc_bundles>
